<compile_context>
chip_gen: v7x
topology: tpu7x:2x2x1
jax: 0.10.2.dev20260603
libtpu: 0.0.44.dev20260713+nightly
codegen_flags: <defaults>
</compile_context>

<pallas_src>
import functools

import jax
import jax.numpy as jnp
from jax import lax
from jax.experimental import pallas as pl
from jax.experimental.pallas import tpu as pltpu
from jax.experimental.pallas import tpu_sc as plsc

NC = 2
NS = 16
NW = NC * NS
K = 128


def _sc_mesh():
    return plsc.VectorSubcoreMesh(
        core_axis_name="c", subcore_axis_name="s", num_cores=NC, num_subcores=NS
    )


def _make_deg_kernel(n_pad, ch):
    zr = n_pad // NS

    @functools.partial(
        pl.kernel,
        mesh=_sc_mesh(),
        out_type=jax.ShapeDtypeStruct((NC * n_pad,), jnp.float32),
        scratch_types=[
            pltpu.VMEM((ch, K), jnp.int32),
            pltpu.VMEM((n_pad,), jnp.float32),
            pltpu.VMEM((NS, zr), jnp.float32),
            pltpu.VMEM((zr,), jnp.float32),
            pltpu.VMEM_SHARED((NS, n_pad), jnp.float32),
        ],
        compiler_params=pltpu.CompilerParams(needs_layout_passes=False),
    )
    def deg_kernel(row_hbm, zeros_hbm, degp_hbm, idx_v, hist_v, red_v, out_v, slab_sh):
        c = lax.axis_index("c")
        s = lax.axis_index("s")
        wid = s * NC + c
        pltpu.sync_copy(row_hbm.at[wid], idx_v)
        pltpu.sync_copy(zeros_hbm, hist_v)

        def body(j, carry):
            for t in range(K // 16):
                vec = idx_v[j, pl.ds(t * 16, 16)]
                counts, lmask = plsc.scan_count(vec)
                plsc.addupdate_scatter(
                    hist_v, [vec], counts.astype(jnp.float32), mask=lmask
                )
            return carry

        lax.fori_loop(0, ch, body, 0)

        pltpu.sync_copy(hist_v, slab_sh.at[s])
        plsc.subcore_barrier()
        pltpu.sync_copy(slab_sh.at[:, pl.ds(s * zr, zr)], red_v)

        def rbody(t, carry):
            acc = red_v[0, pl.ds(t * 16, 16)]
            for r in range(1, NS):
                acc = acc + red_v[r, pl.ds(t * 16, 16)]
            out_v[pl.ds(t * 16, 16)] = acc
            return carry

        lax.fori_loop(0, zr // 16, rbody, 0)
        pltpu.sync_copy(out_v, degp_hbm.at[pl.ds(c * n_pad + s * zr, zr)])

    return deg_kernel


def _make_mp_kernel(n_pad, d, ch, nbuf=2):
    zr = n_pad // NS
    assert ch % nbuf == 0

    @functools.partial(
        pl.kernel,
        mesh=_sc_mesh(),
        out_type=jax.ShapeDtypeStruct((NC * n_pad, d), jnp.float32),
        scratch_types=(
            [pltpu.VMEM((K,), jnp.int32) for _ in range(2 * nbuf)]
            + [pltpu.VMEM((K, d), jnp.float32) for _ in range(nbuf)]
            + [
                pltpu.VMEM_SHARED((n_pad, d), jnp.float32),
                pltpu.SemaphoreType.DMA((nbuf,)),
                pltpu.SemaphoreType.DMA((nbuf,)),
            ]
        ),
    )
    def mp_kernel(row_hbm, col_hbm, y_hbm, zeros_hbm, outp_hbm, *rest):
        ridx = rest[:nbuf]
        cidx = rest[nbuf:2 * nbuf]
        bufs = rest[2 * nbuf:3 * nbuf]
        acc_sh, gsems, isems = rest[3 * nbuf], rest[3 * nbuf + 1], rest[3 * nbuf + 2]
        c = lax.axis_index("c")
        s = lax.axis_index("s")
        wid = s * NC + c
        base = wid * ch
        pltpu.sync_copy(zeros_hbm.at[pl.ds(s * zr, zr)], acc_sh.at[pl.ds(s * zr, zr)])
        plsc.subcore_barrier()

        for b in range(nbuf):
            pltpu.sync_copy(row_hbm.at[base + b], ridx[b])
            pltpu.sync_copy(col_hbm.at[base + b], cidx[b])
            pltpu.async_copy(y_hbm.at[cidx[b]], bufs[b], gsems.at[b])

        def body(g, carry):
            for b in range(nbuf):
                j = g * nbuf + b
                pltpu.make_async_copy(
                    y_hbm.at[cidx[b]], bufs[b], gsems.at[b]
                ).wait()
                pltpu.sync_copy(bufs[b], acc_sh.at[ridx[b]], add=True)
                pltpu.async_copy(row_hbm.at[base + j + nbuf], ridx[b], isems.at[b])
                pltpu.async_copy(col_hbm.at[base + j + nbuf], cidx[b], isems.at[b])
            for b in range(nbuf):
                pltpu.make_async_copy(
                    row_hbm.at[base], ridx[b], isems.at[b]
                ).wait()
                pltpu.make_async_copy(
                    col_hbm.at[base], cidx[b], isems.at[b]
                ).wait()
                pltpu.async_copy(y_hbm.at[cidx[b]], bufs[b], gsems.at[b])
            return carry

        lax.fori_loop(0, ch // nbuf - 1, body, 0)
        for b in range(nbuf):
            pltpu.make_async_copy(
                y_hbm.at[cidx[b]], bufs[b], gsems.at[b]
            ).wait()
            pltpu.sync_copy(bufs[b], acc_sh.at[ridx[b]], add=True)
        plsc.subcore_barrier()
        pltpu.sync_copy(
            acc_sh.at[pl.ds(s * zr, zr)],
            outp_hbm.at[pl.ds(c * n_pad + s * zr, zr)],
        )

    return mp_kernel


def _lin_body(x_ref, wt_ref, b_ref, p0_ref, p1_ref, y_ref):
    deg = p0_ref[...] + p1_ref[...]
    dis = jnp.where(deg > 0, lax.rsqrt(deg), 0.0)
    xl = jnp.dot(x_ref[...], wt_ref[...], preferred_element_type=jnp.float32)
    y_ref[...] = (xl + b_ref[...]) * dis[:, None]


def _fin_body(outp_ref, p0_ref, p1_ref, o_ref):
    deg = p0_ref[...] + p1_ref[...]
    dis = jnp.where(deg > 0, lax.rsqrt(deg), 0.0)
    o_ref[...] = (outp_ref[0] + outp_ref[1]) * dis[:, None]


@jax.jit
def kernel(x, edge_index, W, b):
    n, d_in = x.shape
    d_out = W.shape[0]
    e = edge_index.shape[1]

    n_pad = (n // 256 + 1) * 256
    n_trash = n_pad - n
    ch = -(-e // (NW * K))
    ch = -(-ch // 2) * 2
    e_pad = NW * K * ch

    pad_ids = n + (jnp.arange(e_pad - e, dtype=jnp.int32) % n_trash)
    row_p = jnp.concatenate([edge_index[0], pad_ids]).reshape(NW, ch, K)
    col_p = jnp.concatenate([edge_index[1], pad_ids]).reshape(NW, ch, K)

    zeros1 = jnp.zeros((n_pad,), jnp.float32)
    zeros_d = jnp.zeros((n_pad, d_out), jnp.float32)

    degp = _make_deg_kernel(n_pad, ch)(row_p, zeros1)
    p0 = degp[:n_pad]
    p1 = degp[n_pad:]

    x_pad = jnp.pad(x, ((0, n_trash), (0, 0)))
    blk = 1024 if n_pad % 1024 == 0 else 256
    grid = (n_pad // blk,)
    y_pad = pl.pallas_call(
        _lin_body,
        grid=grid,
        in_specs=[
            pl.BlockSpec((blk, d_in), lambda i: (i, 0)),
            pl.BlockSpec((d_in, d_out), lambda i: (0, 0)),
            pl.BlockSpec((1, d_out), lambda i: (0, 0)),
            pl.BlockSpec((blk,), lambda i: (i,)),
            pl.BlockSpec((blk,), lambda i: (i,)),
        ],
        out_specs=pl.BlockSpec((blk, d_out), lambda i: (i, 0)),
        out_shape=jax.ShapeDtypeStruct((n_pad, d_out), jnp.float32),
    )(x_pad, W.T, b.reshape(1, d_out), p0, p1)

    outp = _make_mp_kernel(n_pad, d_out, ch)(
        row_p.reshape(NW * ch, K), col_p.reshape(NW * ch, K), y_pad, zeros_d
    )
    outp3 = outp.reshape(NC, n_pad, d_out)

    out_pad = pl.pallas_call(
        _fin_body,
        grid=grid,
        in_specs=[
            pl.BlockSpec((NC, blk, d_out), lambda i: (0, i, 0)),
            pl.BlockSpec((blk,), lambda i: (i,)),
            pl.BlockSpec((blk,), lambda i: (i,)),
        ],
        out_specs=pl.BlockSpec((blk, d_out), lambda i: (i, 0)),
        out_shape=jax.ShapeDtypeStruct((n_pad, d_out), jnp.float32),
    )(outp3, p0, p1)

    return out_pad[:n]

# --- scband reference (transcript-rebuilt; emitter-appended) ---
"""Pipeline reference for scband-gcnconv-83253646065701 (READ-ONLY COPY).

The authoritative reference and input builder live on the scoring server;
editing this copy changes nothing except your own understanding.
"""

import jax, jax.numpy as jnp
import numpy as np

N = 10000
E = 320000
D_IN = 128
D_OUT = 128


def setup_inputs(seed: int = 0) -> dict:
    key = jax.random.key(seed)
    k1, k2, k3, k4 = jax.random.split(key, 4)
    x = jax.random.normal(k1, (N, D_IN), dtype=jnp.float32)
    edge_index = jax.random.randint(k2, (2, E), 0, N, dtype=jnp.int32)
    # Linear layer params (torch.nn.Linear: weight [out, in], bias [out])
    bound = 1.0 / np.sqrt(D_IN)
    W = jax.random.uniform(k3, (D_OUT, D_IN), minval=-bound, maxval=bound, dtype=jnp.float32)
    b = jax.random.uniform(k4, (D_OUT,), minval=-bound, maxval=bound, dtype=jnp.float32)
    return {"x": x, "edge_index": edge_index, "W": W, "b": b}


def reference(x, edge_index, W, b):
    num_nodes = x.shape[0]
    row = edge_index[0]
    col = edge_index[1]
    # degree via scatter-add of ones on row
    deg = jnp.zeros((num_nodes,), dtype=x.dtype).at[row].add(jnp.ones_like(row, dtype=x.dtype))
    deg_inv_sqrt = jnp.power(deg, -0.5)
    deg_inv_sqrt = jnp.where(jnp.isinf(deg_inv_sqrt), jnp.zeros_like(deg_inv_sqrt), deg_inv_sqrt)
    edge_weight = deg_inv_sqrt[row] * deg_inv_sqrt[col]
    # linear
    x_lin = x @ W.T + b
    # sparse.mm(adj, x_lin): out[r] += w_e * x_lin[c] for each edge (r, c)
    out = jnp.zeros((num_nodes, x_lin.shape[1]), dtype=x.dtype).at[row].add(edge_weight[:, None] * x_lin[col])
    return out

if __name__ == "__main__":
    import jax
    _d = setup_inputs()
    print(jax.jit(kernel)(*tuple(_d.values())))

</pallas_src>

<mosaic_0001>
#map = affine_map<(d0, d1) -> (0, 0, 0)>
#map1 = affine_map<(d0, d1) -> (0)>
module attributes {stable_mosaic.version = 14 : i64} {
  func.func @deg_kernel(%arg0: i32, %arg1: i32, %arg2: memref<32x80x128xi32, #tpu.memory_space<hbm>>, %arg3: memref<10240xf32, #tpu.memory_space<hbm>>, %arg4: memref<20480xf32, #tpu.memory_space<hbm>>, %arg5: memref<80x128xi32, #tpu.memory_space<vmem>>, %arg6: memref<10240xf32, #tpu.memory_space<vmem>>, %arg7: memref<16x640xf32, #tpu.memory_space<vmem>>, %arg8: memref<640xf32, #tpu.memory_space<vmem>>, %arg9: memref<16x10240xf32, #tpu.memory_space<vmem_shared>>) attributes {dimension_semantics = [#tpu.dimension_semantics<core_parallel>, #tpu.dimension_semantics<subcore_parallel>], iteration_bounds = array<i64: 2, 16>, scalar_prefetch = 0 : i64, scratch_operands = 5 : i64, tpu.core_type = #tpu.core_type<sc_vector_subcore>, window_params = [{transform_indices = #map}, {transform_indices = #map1}, {transform_indices = #map1}]} {
    %mul3A = arith.constant 2 : i32
    %mul3A_0 = arith.muli %arg1, %mul3A : i32
    %add3A = arith.addi %mul3A_0, %arg0 : i32
    "tpu.region"() ({
      %run_scoped3A = tpu.sem_alloc : memref<!tpu.dma_semaphore, #tpu.memory_space<semaphore_mem>>
      %dma_start3A = arith.constant 0 : i32
      %dma_start3A_19 = arith.constant 0 : i32
      %dma_start3A_20 = tpu.memref_slice %arg2[%add3A, %dma_start3A, %dma_start3A_19] : memref<32x80x128xi32, #tpu.memory_space<hbm>> -> memref<1x80x128xi32, #tpu.memory_space<hbm>>
      %dma_start3A_21 = tpu.memref_squeeze %dma_start3A_20 : memref<1x80x128xi32, #tpu.memory_space<hbm>> -> memref<80x128xi32, #tpu.memory_space<hbm>>
      %dma_start3A_22 = arith.constant 0 : i32
      %dma_start3A_23 = arith.constant 0 : i32
      %dma_start3A_24 = tpu.memref_slice %arg2[%add3A, %dma_start3A_22, %dma_start3A_23] : memref<32x80x128xi32, #tpu.memory_space<hbm>> -> memref<1x80x128xi32, #tpu.memory_space<hbm>>
      %dma_start3A_25 = tpu.memref_squeeze %dma_start3A_24 : memref<1x80x128xi32, #tpu.memory_space<hbm>> -> memref<80x128xi32, #tpu.memory_space<hbm>>
      tpu.enqueue_dma source(%dma_start3A_25 : memref<80x128xi32, #tpu.memory_space<hbm>>) target(%arg5 : memref<80x128xi32, #tpu.memory_space<vmem>>) target_semaphore(%run_scoped3A : memref<!tpu.dma_semaphore, #tpu.memory_space<semaphore_mem>>)
      %dma_wait3A = arith.constant 0 : i32
      %dma_wait3A_26 = arith.constant 0 : i32
      %dma_wait3A_27 = tpu.memref_slice %arg2[%add3A, %dma_wait3A, %dma_wait3A_26] : memref<32x80x128xi32, #tpu.memory_space<hbm>> -> memref<1x80x128xi32, #tpu.memory_space<hbm>>
      %dma_wait3A_28 = tpu.memref_squeeze %dma_wait3A_27 : memref<1x80x128xi32, #tpu.memory_space<hbm>> -> memref<80x128xi32, #tpu.memory_space<hbm>>
      %dma_wait3A_29 = arith.constant 0 : i32
      %dma_wait3A_30 = arith.constant 0 : i32
      %dma_wait3A_31 = tpu.memref_slice %arg2[%add3A, %dma_wait3A_29, %dma_wait3A_30] : memref<32x80x128xi32, #tpu.memory_space<hbm>> -> memref<1x80x128xi32, #tpu.memory_space<hbm>>
      %dma_wait3A_32 = tpu.memref_squeeze %dma_wait3A_31 : memref<1x80x128xi32, #tpu.memory_space<hbm>> -> memref<80x128xi32, #tpu.memory_space<hbm>>
      tpu.wait_dma2 semaphore(%run_scoped3A : memref<!tpu.dma_semaphore, #tpu.memory_space<semaphore_mem>>) src(%dma_wait3A_32 : memref<80x128xi32, #tpu.memory_space<hbm>>) dst(%arg5 : memref<80x128xi32, #tpu.memory_space<vmem>>)
      tpu.yield
    }) : () -> ()
    "tpu.region"() ({
      %run_scoped3A = tpu.sem_alloc : memref<!tpu.dma_semaphore, #tpu.memory_space<semaphore_mem>>
      tpu.enqueue_dma source(%arg3 : memref<10240xf32, #tpu.memory_space<hbm>>) target(%arg6 : memref<10240xf32, #tpu.memory_space<vmem>>) target_semaphore(%run_scoped3A : memref<!tpu.dma_semaphore, #tpu.memory_space<semaphore_mem>>)
      tpu.wait_dma2 semaphore(%run_scoped3A : memref<!tpu.dma_semaphore, #tpu.memory_space<semaphore_mem>>) src(%arg3 : memref<10240xf32, #tpu.memory_space<hbm>>) dst(%arg6 : memref<10240xf32, #tpu.memory_space<vmem>>)
      tpu.yield
    }) : () -> ()
    %scan3A = arith.constant 0 : i32
    %scan3A_1 = arith.constant 0 : i32
    %scan3A_2 = arith.constant 80 : i32
    %scan3A_3 = arith.addi %scan3A_1, %scan3A_2 : i32
    %scan3A_4 = arith.constant 1 : i32
    scf.for %scan3A_19 = %scan3A_1 to %scan3A_3 step %scan3A_4  : i32 {
      %get3A = arith.index_cast %scan3A_19 : i32 to index
      %get3A_20 = arith.constant 0 : index
      %get3A_21 = tpu.vector_load %arg5[%get3A, %get3A_20] {strides = array<i32>} : memref<80x128xi32, #tpu.memory_space<vmem>>, vector<16xi32>,
      %broadcast_in_dim3A = arith.constant true
      %broadcast_in_dim3A_22 = vector.broadcast %broadcast_in_dim3A : i1 to vector<16xi1>
      %unique3A, %unique3A_23 = tpu.scan_count mask(%broadcast_in_dim3A_22 : vector<16xi1>) value(%get3A_21 : vector<16xi32>) : vector<16xi1>, vector<16xi32>
      %convert_element_type3A = arith.sitofp %unique3A_23 : vector<16xi32> to vector<16xf32>
      tpu.vector_store_idx %arg6[%get3A_21], %convert_element_type3A masked %unique3A {add = true} : memref<10240xf32, #tpu.memory_space<vmem>>[vector<16xi32>], vector<16xf32>, vector<16xi1>
      %get3A_24 = arith.index_cast %scan3A_19 : i32 to index
      %get3A_25 = arith.constant 16 : index
      %get3A_26 = tpu.vector_load %arg5[%get3A_24, %get3A_25] {strides = array<i32>} : memref<80x128xi32, #tpu.memory_space<vmem>>, vector<16xi32>,
      %broadcast_in_dim3A_27 = arith.constant true
      %broadcast_in_dim3A_28 = vector.broadcast %broadcast_in_dim3A_27 : i1 to vector<16xi1>
      %unique3A_29, %unique3A_30 = tpu.scan_count mask(%broadcast_in_dim3A_28 : vector<16xi1>) value(%get3A_26 : vector<16xi32>) : vector<16xi1>, vector<16xi32>
      %convert_element_type3A_31 = arith.sitofp %unique3A_30 : vector<16xi32> to vector<16xf32>
      tpu.vector_store_idx %arg6[%get3A_26], %convert_element_type3A_31 masked %unique3A_29 {add = true} : memref<10240xf32, #tpu.memory_space<vmem>>[vector<16xi32>], vector<16xf32>, vector<16xi1>
      %get3A_32 = arith.index_cast %scan3A_19 : i32 to index
      %get3A_33 = arith.constant 32 : index
      %get3A_34 = tpu.vector_load %arg5[%get3A_32, %get3A_33] {strides = array<i32>} : memref<80x128xi32, #tpu.memory_space<vmem>>, vector<16xi32>,
      %broadcast_in_dim3A_35 = arith.constant true
      %broadcast_in_dim3A_36 = vector.broadcast %broadcast_in_dim3A_35 : i1 to vector<16xi1>
      %unique3A_37, %unique3A_38 = tpu.scan_count mask(%broadcast_in_dim3A_36 : vector<16xi1>) value(%get3A_34 : vector<16xi32>) : vector<16xi1>, vector<16xi32>
      %convert_element_type3A_39 = arith.sitofp %unique3A_38 : vector<16xi32> to vector<16xf32>
      tpu.vector_store_idx %arg6[%get3A_34], %convert_element_type3A_39 masked %unique3A_37 {add = true} : memref<10240xf32, #tpu.memory_space<vmem>>[vector<16xi32>], vector<16xf32>, vector<16xi1>
      %get3A_40 = arith.index_cast %scan3A_19 : i32 to index
      %get3A_41 = arith.constant 48 : index
      %get3A_42 = tpu.vector_load %arg5[%get3A_40, %get3A_41] {strides = array<i32>} : memref<80x128xi32, #tpu.memory_space<vmem>>, vector<16xi32>,
      %broadcast_in_dim3A_43 = arith.constant true
      %broadcast_in_dim3A_44 = vector.broadcast %broadcast_in_dim3A_43 : i1 to vector<16xi1>
      %unique3A_45, %unique3A_46 = tpu.scan_count mask(%broadcast_in_dim3A_44 : vector<16xi1>) value(%get3A_42 : vector<16xi32>) : vector<16xi1>, vector<16xi32>
      %convert_element_type3A_47 = arith.sitofp %unique3A_46 : vector<16xi32> to vector<16xf32>
      tpu.vector_store_idx %arg6[%get3A_42], %convert_element_type3A_47 masked %unique3A_45 {add = true} : memref<10240xf32, #tpu.memory_space<vmem>>[vector<16xi32>], vector<16xf32>, vector<16xi1>
      %get3A_48 = arith.index_cast %scan3A_19 : i32 to index
      %get3A_49 = arith.constant 64 : index
      %get3A_50 = tpu.vector_load %arg5[%get3A_48, %get3A_49] {strides = array<i32>} : memref<80x128xi32, #tpu.memory_space<vmem>>, vector<16xi32>,
      %broadcast_in_dim3A_51 = arith.constant true
      %broadcast_in_dim3A_52 = vector.broadcast %broadcast_in_dim3A_51 : i1 to vector<16xi1>
      %unique3A_53, %unique3A_54 = tpu.scan_count mask(%broadcast_in_dim3A_52 : vector<16xi1>) value(%get3A_50 : vector<16xi32>) : vector<16xi1>, vector<16xi32>
      %convert_element_type3A_55 = arith.sitofp %unique3A_54 : vector<16xi32> to vector<16xf32>
      tpu.vector_store_idx %arg6[%get3A_50], %convert_element_type3A_55 masked %unique3A_53 {add = true} : memref<10240xf32, #tpu.memory_space<vmem>>[vector<16xi32>], vector<16xf32>, vector<16xi1>
      %get3A_56 = arith.index_cast %scan3A_19 : i32 to index
      %get3A_57 = arith.constant 80 : index
      %get3A_58 = tpu.vector_load %arg5[%get3A_56, %get3A_57] {strides = array<i32>} : memref<80x128xi32, #tpu.memory_space<vmem>>, vector<16xi32>,
      %broadcast_in_dim3A_59 = arith.constant true
      %broadcast_in_dim3A_60 = vector.broadcast %broadcast_in_dim3A_59 : i1 to vector<16xi1>
      %unique3A_61, %unique3A_62 = tpu.scan_count mask(%broadcast_in_dim3A_60 : vector<16xi1>) value(%get3A_58 : vector<16xi32>) : vector<16xi1>, vector<16xi32>
      %convert_element_type3A_63 = arith.sitofp %unique3A_62 : vector<16xi32> to vector<16xf32>
      tpu.vector_store_idx %arg6[%get3A_58], %convert_element_type3A_63 masked %unique3A_61 {add = true} : memref<10240xf32, #tpu.memory_space<vmem>>[vector<16xi32>], vector<16xf32>, vector<16xi1>
      %get3A_64 = arith.index_cast %scan3A_19 : i32 to index
      %get3A_65 = arith.constant 96 : index
      %get3A_66 = tpu.vector_load %arg5[%get3A_64, %get3A_65] {strides = array<i32>} : memref<80x128xi32, #tpu.memory_space<vmem>>, vector<16xi32>,
      %broadcast_in_dim3A_67 = arith.constant true
      %broadcast_in_dim3A_68 = vector.broadcast %broadcast_in_dim3A_67 : i1 to vector<16xi1>
      %unique3A_69, %unique3A_70 = tpu.scan_count mask(%broadcast_in_dim3A_68 : vector<16xi1>) value(%get3A_66 : vector<16xi32>) : vector<16xi1>, vector<16xi32>
      %convert_element_type3A_71 = arith.sitofp %unique3A_70 : vector<16xi32> to vector<16xf32>
      tpu.vector_store_idx %arg6[%get3A_66], %convert_element_type3A_71 masked %unique3A_69 {add = true} : memref<10240xf32, #tpu.memory_space<vmem>>[vector<16xi32>], vector<16xf32>, vector<16xi1>
      %get3A_72 = arith.index_cast %scan3A_19 : i32 to index
      %get3A_73 = arith.constant 112 : index
      %get3A_74 = tpu.vector_load %arg5[%get3A_72, %get3A_73] {strides = array<i32>} : memref<80x128xi32, #tpu.memory_space<vmem>>, vector<16xi32>,
      %broadcast_in_dim3A_75 = arith.constant true
      %broadcast_in_dim3A_76 = vector.broadcast %broadcast_in_dim3A_75 : i1 to vector<16xi1>
      %unique3A_77, %unique3A_78 = tpu.scan_count mask(%broadcast_in_dim3A_76 : vector<16xi1>) value(%get3A_74 : vector<16xi32>) : vector<16xi1>, vector<16xi32>
      %convert_element_type3A_79 = arith.sitofp %unique3A_78 : vector<16xi32> to vector<16xf32>
      tpu.vector_store_idx %arg6[%get3A_74], %convert_element_type3A_79 masked %unique3A_77 {add = true} : memref<10240xf32, #tpu.memory_space<vmem>>[vector<16xi32>], vector<16xf32>, vector<16xi1>
    }
    %scan3A_5 = arith.constant 80 : i32
    "tpu.region"() ({
      %run_scoped3A = tpu.sem_alloc : memref<!tpu.dma_semaphore, #tpu.memory_space<semaphore_mem>>
      %dma_start3A = arith.constant 0 : i32
      %dma_start3A_19 = tpu.memref_slice %arg9[%arg1, %dma_start3A] : memref<16x10240xf32, #tpu.memory_space<vmem_shared>> -> memref<1x10240xf32, #tpu.memory_space<vmem_shared>>
      %dma_start3A_20 = tpu.memref_squeeze %dma_start3A_19 : memref<1x10240xf32, #tpu.memory_space<vmem_shared>> -> memref<10240xf32, #tpu.memory_space<vmem_shared>>
      %dma_start3A_21 = arith.constant 0 : i32
      %dma_start3A_22 = tpu.memref_slice %arg9[%arg1, %dma_start3A_21] : memref<16x10240xf32, #tpu.memory_space<vmem_shared>> -> memref<1x10240xf32, #tpu.memory_space<vmem_shared>>
      %dma_start3A_23 = tpu.memref_squeeze %dma_start3A_22 : memref<1x10240xf32, #tpu.memory_space<vmem_shared>> -> memref<10240xf32, #tpu.memory_space<vmem_shared>>
      tpu.enqueue_dma source(%arg6 : memref<10240xf32, #tpu.memory_space<vmem>>) target(%dma_start3A_23 : memref<10240xf32, #tpu.memory_space<vmem_shared>>) target_semaphore(%run_scoped3A : memref<!tpu.dma_semaphore, #tpu.memory_space<semaphore_mem>>)
      %dma_wait3A = arith.constant 0 : i32
      %dma_wait3A_24 = tpu.memref_slice %arg9[%arg1, %dma_wait3A] : memref<16x10240xf32, #tpu.memory_space<vmem_shared>> -> memref<1x10240xf32, #tpu.memory_space<vmem_shared>>
      %dma_wait3A_25 = tpu.memref_squeeze %dma_wait3A_24 : memref<1x10240xf32, #tpu.memory_space<vmem_shared>> -> memref<10240xf32, #tpu.memory_space<vmem_shared>>
      %dma_wait3A_26 = arith.constant 0 : i32
      %dma_wait3A_27 = tpu.memref_slice %arg9[%arg1, %dma_wait3A_26] : memref<16x10240xf32, #tpu.memory_space<vmem_shared>> -> memref<1x10240xf32, #tpu.memory_space<vmem_shared>>
      %dma_wait3A_28 = tpu.memref_squeeze %dma_wait3A_27 : memref<1x10240xf32, #tpu.memory_space<vmem_shared>> -> memref<10240xf32, #tpu.memory_space<vmem_shared>>
      tpu.wait_dma2 semaphore(%run_scoped3A : memref<!tpu.dma_semaphore, #tpu.memory_space<semaphore_mem>>) src(%arg6 : memref<10240xf32, #tpu.memory_space<vmem>>) dst(%dma_wait3A_28 : memref<10240xf32, #tpu.memory_space<vmem_shared>>)
      tpu.yield
    }) : () -> ()
    %barrier3A = arith.constant 0 : index
    tpu.barrier barrier_id(%barrier3A)
    %mul3A_6 = arith.constant 640 : i32
    %mul3A_7 = arith.muli %arg1, %mul3A_6 : i32
    "tpu.region"() ({
      %run_scoped3A = tpu.sem_alloc : memref<!tpu.dma_semaphore, #tpu.memory_space<semaphore_mem>>
      %dma_start3A = arith.constant 0 : i32
      %dma_start3A_19 = tpu.memref_slice %arg9[%dma_start3A, %mul3A_7] : memref<16x10240xf32, #tpu.memory_space<vmem_shared>> -> memref<16x640xf32, #tpu.memory_space<vmem_shared>>
      %dma_start3A_20 = arith.constant 0 : i32
      %dma_start3A_21 = tpu.memref_slice %arg9[%dma_start3A_20, %mul3A_7] : memref<16x10240xf32, #tpu.memory_space<vmem_shared>> -> memref<16x640xf32, #tpu.memory_space<vmem_shared>>
      tpu.enqueue_dma source(%dma_start3A_21 : memref<16x640xf32, #tpu.memory_space<vmem_shared>>) target(%arg7 : memref<16x640xf32, #tpu.memory_space<vmem>>) target_semaphore(%run_scoped3A : memref<!tpu.dma_semaphore, #tpu.memory_space<semaphore_mem>>)
      %dma_wait3A = arith.constant 0 : i32
      %dma_wait3A_22 = tpu.memref_slice %arg9[%dma_wait3A, %mul3A_7] : memref<16x10240xf32, #tpu.memory_space<vmem_shared>> -> memref<16x640xf32, #tpu.memory_space<vmem_shared>>
      %dma_wait3A_23 = arith.constant 0 : i32
      %dma_wait3A_24 = tpu.memref_slice %arg9[%dma_wait3A_23, %mul3A_7] : memref<16x10240xf32, #tpu.memory_space<vmem_shared>> -> memref<16x640xf32, #tpu.memory_space<vmem_shared>>
      tpu.wait_dma2 semaphore(%run_scoped3A : memref<!tpu.dma_semaphore, #tpu.memory_space<semaphore_mem>>) src(%dma_wait3A_24 : memref<16x640xf32, #tpu.memory_space<vmem_shared>>) dst(%arg7 : memref<16x640xf32, #tpu.memory_space<vmem>>)
      tpu.yield
    }) : () -> ()
    %scan3A_8 = arith.constant 0 : i32
    %scan3A_9 = arith.constant 0 : i32
    %scan3A_10 = arith.constant 40 : i32
    %scan3A_11 = arith.addi %scan3A_9, %scan3A_10 : i32
    %scan3A_12 = arith.constant 1 : i32
    scf.for %scan3A_19 = %scan3A_9 to %scan3A_11 step %scan3A_12  : i32 {
      %mul3A_20 = arith.constant 16 : i32
      %mul3A_21 = arith.muli %scan3A_19, %mul3A_20 : i32
      %get3A = arith.constant 0 : i32
      %get3A_22 = arith.index_cast %get3A : i32 to index
      %get3A_23 = arith.index_cast %mul3A_21 : i32 to index
      %get3A_24 = tpu.vector_load %arg7[%get3A_22, %get3A_23] {strides = array<i32>} : memref<16x640xf32, #tpu.memory_space<vmem>>, vector<16xf32>,
      %mul3A_25 = arith.constant 16 : i32
      %mul3A_26 = arith.muli %scan3A_19, %mul3A_25 : i32
      %get3A_27 = arith.constant 1 : i32
      %get3A_28 = arith.index_cast %get3A_27 : i32 to index
      %get3A_29 = arith.index_cast %mul3A_26 : i32 to index
      %get3A_30 = tpu.vector_load %arg7[%get3A_28, %get3A_29] {strides = array<i32>} : memref<16x640xf32, #tpu.memory_space<vmem>>, vector<16xf32>,
      %add3A_31 = arith.addf %get3A_24, %get3A_30 : vector<16xf32>
      %mul3A_32 = arith.constant 16 : i32
      %mul3A_33 = arith.muli %scan3A_19, %mul3A_32 : i32
      %get3A_34 = arith.constant 2 : i32
      %get3A_35 = arith.index_cast %get3A_34 : i32 to index
      %get3A_36 = arith.index_cast %mul3A_33 : i32 to index
      %get3A_37 = tpu.vector_load %arg7[%get3A_35, %get3A_36] {strides = array<i32>} : memref<16x640xf32, #tpu.memory_space<vmem>>, vector<16xf32>,
      %add3A_38 = arith.addf %add3A_31, %get3A_37 : vector<16xf32>
      %mul3A_39 = arith.constant 16 : i32
      %mul3A_40 = arith.muli %scan3A_19, %mul3A_39 : i32
      %get3A_41 = arith.constant 3 : i32
      %get3A_42 = arith.index_cast %get3A_41 : i32 to index
      %get3A_43 = arith.index_cast %mul3A_40 : i32 to index
      %get3A_44 = tpu.vector_load %arg7[%get3A_42, %get3A_43] {strides = array<i32>} : memref<16x640xf32, #tpu.memory_space<vmem>>, vector<16xf32>,
      %add3A_45 = arith.addf %add3A_38, %get3A_44 : vector<16xf32>
      %mul3A_46 = arith.constant 16 : i32
      %mul3A_47 = arith.muli %scan3A_19, %mul3A_46 : i32
      %get3A_48 = arith.constant 4 : i32
      %get3A_49 = arith.index_cast %get3A_48 : i32 to index
      %get3A_50 = arith.index_cast %mul3A_47 : i32 to index
      %get3A_51 = tpu.vector_load %arg7[%get3A_49, %get3A_50] {strides = array<i32>} : memref<16x640xf32, #tpu.memory_space<vmem>>, vector<16xf32>,
      %add3A_52 = arith.addf %add3A_45, %get3A_51 : vector<16xf32>
      %mul3A_53 = arith.constant 16 : i32
      %mul3A_54 = arith.muli %scan3A_19, %mul3A_53 : i32
      %get3A_55 = arith.constant 5 : i32
      %get3A_56 = arith.index_cast %get3A_55 : i32 to index
      %get3A_57 = arith.index_cast %mul3A_54 : i32 to index
      %get3A_58 = tpu.vector_load %arg7[%get3A_56, %get3A_57] {strides = array<i32>} : memref<16x640xf32, #tpu.memory_space<vmem>>, vector<16xf32>,
      %add3A_59 = arith.addf %add3A_52, %get3A_58 : vector<16xf32>
      %mul3A_60 = arith.constant 16 : i32
      %mul3A_61 = arith.muli %scan3A_19, %mul3A_60 : i32
      %get3A_62 = arith.constant 6 : i32
      %get3A_63 = arith.index_cast %get3A_62 : i32 to index
      %get3A_64 = arith.index_cast %mul3A_61 : i32 to index
      %get3A_65 = tpu.vector_load %arg7[%get3A_63, %get3A_64] {strides = array<i32>} : memref<16x640xf32, #tpu.memory_space<vmem>>, vector<16xf32>,
      %add3A_66 = arith.addf %add3A_59, %get3A_65 : vector<16xf32>
      %mul3A_67 = arith.constant 16 : i32
      %mul3A_68 = arith.muli %scan3A_19, %mul3A_67 : i32
      %get3A_69 = arith.constant 7 : i32
      %get3A_70 = arith.index_cast %get3A_69 : i32 to index
      %get3A_71 = arith.index_cast %mul3A_68 : i32 to index
      %get3A_72 = tpu.vector_load %arg7[%get3A_70, %get3A_71] {strides = array<i32>} : memref<16x640xf32, #tpu.memory_space<vmem>>, vector<16xf32>,
      %add3A_73 = arith.addf %add3A_66, %get3A_72 : vector<16xf32>
      %mul3A_74 = arith.constant 16 : i32
      %mul3A_75 = arith.muli %scan3A_19, %mul3A_74 : i32
      %get3A_76 = arith.constant 8 : i32
      %get3A_77 = arith.index_cast %get3A_76 : i32 to index
      %get3A_78 = arith.index_cast %mul3A_75 : i32 to index
      %get3A_79 = tpu.vector_load %arg7[%get3A_77, %get3A_78] {strides = array<i32>} : memref<16x640xf32, #tpu.memory_space<vmem>>, vector<16xf32>,
      %add3A_80 = arith.addf %add3A_73, %get3A_79 : vector<16xf32>
      %mul3A_81 = arith.constant 16 : i32
      %mul3A_82 = arith.muli %scan3A_19, %mul3A_81 : i32
      %get3A_83 = arith.constant 9 : i32
      %get3A_84 = arith.index_cast %get3A_83 : i32 to index
      %get3A_85 = arith.index_cast %mul3A_82 : i32 to index
      %get3A_86 = tpu.vector_load %arg7[%get3A_84, %get3A_85] {strides = array<i32>} : memref<16x640xf32, #tpu.memory_space<vmem>>, vector<16xf32>,
      %add3A_87 = arith.addf %add3A_80, %get3A_86 : vector<16xf32>
      %mul3A_88 = arith.constant 16 : i32
      %mul3A_89 = arith.muli %scan3A_19, %mul3A_88 : i32
      %get3A_90 = arith.constant 10 : i32
      %get3A_91 = arith.index_cast %get3A_90 : i32 to index
      %get3A_92 = arith.index_cast %mul3A_89 : i32 to index
      %get3A_93 = tpu.vector_load %arg7[%get3A_91, %get3A_92] {strides = array<i32>} : memref<16x640xf32, #tpu.memory_space<vmem>>, vector<16xf32>,
      %add3A_94 = arith.addf %add3A_87, %get3A_93 : vector<16xf32>
      %mul3A_95 = arith.constant 16 : i32
      %mul3A_96 = arith.muli %scan3A_19, %mul3A_95 : i32
      %get3A_97 = arith.constant 11 : i32
      %get3A_98 = arith.index_cast %get3A_97 : i32 to index
      %get3A_99 = arith.index_cast %mul3A_96 : i32 to index
      %get3A_100 = tpu.vector_load %arg7[%get3A_98, %get3A_99] {strides = array<i32>} : memref<16x640xf32, #tpu.memory_space<vmem>>, vector<16xf32>,
      %add3A_101 = arith.addf %add3A_94, %get3A_100 : vector<16xf32>
      %mul3A_102 = arith.constant 16 : i32
      %mul3A_103 = arith.muli %scan3A_19, %mul3A_102 : i32
      %get3A_104 = arith.constant 12 : i32
      %get3A_105 = arith.index_cast %get3A_104 : i32 to index
      %get3A_106 = arith.index_cast %mul3A_103 : i32 to index
      %get3A_107 = tpu.vector_load %arg7[%get3A_105, %get3A_106] {strides = array<i32>} : memref<16x640xf32, #tpu.memory_space<vmem>>, vector<16xf32>,
      %add3A_108 = arith.addf %add3A_101, %get3A_107 : vector<16xf32>
      %mul3A_109 = arith.constant 16 : i32
      %mul3A_110 = arith.muli %scan3A_19, %mul3A_109 : i32
      %get3A_111 = arith.constant 13 : i32
      %get3A_112 = arith.index_cast %get3A_111 : i32 to index
      %get3A_113 = arith.index_cast %mul3A_110 : i32 to index
      %get3A_114 = tpu.vector_load %arg7[%get3A_112, %get3A_113] {strides = array<i32>} : memref<16x640xf32, #tpu.memory_space<vmem>>, vector<16xf32>,
      %add3A_115 = arith.addf %add3A_108, %get3A_114 : vector<16xf32>
      %mul3A_116 = arith.constant 16 : i32
      %mul3A_117 = arith.muli %scan3A_19, %mul3A_116 : i32
      %get3A_118 = arith.constant 14 : i32
      %get3A_119 = arith.index_cast %get3A_118 : i32 to index
      %get3A_120 = arith.index_cast %mul3A_117 : i32 to index
      %get3A_121 = tpu.vector_load %arg7[%get3A_119, %get3A_120] {strides = array<i32>} : memref<16x640xf32, #tpu.memory_space<vmem>>, vector<16xf32>,
      %add3A_122 = arith.addf %add3A_115, %get3A_121 : vector<16xf32>
      %mul3A_123 = arith.constant 16 : i32
      %mul3A_124 = arith.muli %scan3A_19, %mul3A_123 : i32
      %get3A_125 = arith.constant 15 : i32
      %get3A_126 = arith.index_cast %get3A_125 : i32 to index
      %get3A_127 = arith.index_cast %mul3A_124 : i32 to index
      %get3A_128 = tpu.vector_load %arg7[%get3A_126, %get3A_127] {strides = array<i32>} : memref<16x640xf32, #tpu.memory_space<vmem>>, vector<16xf32>,
      %add3A_129 = arith.addf %add3A_122, %get3A_128 : vector<16xf32>
      %mul3A_130 = arith.constant 16 : i32
      %mul3A_131 = arith.muli %scan3A_19, %mul3A_130 : i32
      %swap3A = arith.index_cast %mul3A_131 : i32 to index
      %swap3A_132 = tpu.vector_load %arg8[%swap3A] {strides = array<i32>} : memref<640xf32, #tpu.memory_space<vmem>>, vector<16xf32>,
      tpu.vector_store %arg8[%swap3A], %add3A_129 {strides = array<i32>} : memref<640xf32, #tpu.memory_space<vmem>>, vector<16xf32>,
    }
    %scan3A_13 = arith.constant 40 : i32
    %mul3A_14 = arith.constant 10240 : i32
    %mul3A_15 = arith.muli %arg0, %mul3A_14 : i32
    %mul3A_16 = arith.constant 640 : i32
    %mul3A_17 = arith.muli %arg1, %mul3A_16 : i32
    %add3A_18 = arith.addi %mul3A_15, %mul3A_17 : i32
    "tpu.region"() ({
      %run_scoped3A = tpu.sem_alloc : memref<!tpu.dma_semaphore, #tpu.memory_space<semaphore_mem>>
      %dma_start3A = tpu.memref_slice %arg4[%add3A_18] : memref<20480xf32, #tpu.memory_space<hbm>> -> memref<640xf32, #tpu.memory_space<hbm>>
      %dma_start3A_19 = tpu.memref_slice %arg4[%add3A_18] : memref<20480xf32, #tpu.memory_space<hbm>> -> memref<640xf32, #tpu.memory_space<hbm>>
      tpu.enqueue_dma source(%arg8 : memref<640xf32, #tpu.memory_space<vmem>>) target(%dma_start3A_19 : memref<640xf32, #tpu.memory_space<hbm>>) target_semaphore(%run_scoped3A : memref<!tpu.dma_semaphore, #tpu.memory_space<semaphore_mem>>)
      %dma_wait3A = tpu.memref_slice %arg4[%add3A_18] : memref<20480xf32, #tpu.memory_space<hbm>> -> memref<640xf32, #tpu.memory_space<hbm>>
      %dma_wait3A_20 = tpu.memref_slice %arg4[%add3A_18] : memref<20480xf32, #tpu.memory_space<hbm>> -> memref<640xf32, #tpu.memory_space<hbm>>
      tpu.wait_dma2 semaphore(%run_scoped3A : memref<!tpu.dma_semaphore, #tpu.memory_space<semaphore_mem>>) src(%arg8 : memref<640xf32, #tpu.memory_space<vmem>>) dst(%dma_wait3A_20 : memref<640xf32, #tpu.memory_space<hbm>>)
      tpu.yield
    }) : () -> ()
    return
  }
}

#map = affine_map<(d0, d1) -> (0, 0)>
module attributes {stable_mosaic.version = 14 : i64} {
  func.func @mp_kernel(%arg0: i32, %arg1: i32, %arg2: memref<2560x128xi32, #tpu.memory_space<hbm>>, %arg3: memref<2560x128xi32, #tpu.memory_space<hbm>>, %arg4: memref<10240x128xf32, #tpu.memory_space<hbm>>, %arg5: memref<10240x128xf32, #tpu.memory_space<hbm>>, %arg6: memref<20480x128xf32, #tpu.memory_space<hbm>>, %arg7: memref<128xi32, #tpu.memory_space<vmem>>, %arg8: memref<128xi32, #tpu.memory_space<vmem>>, %arg9: memref<128xi32, #tpu.memory_space<vmem>>, %arg10: memref<128xi32, #tpu.memory_space<vmem>>, %arg11: memref<128x128xf32, #tpu.memory_space<vmem>>, %arg12: memref<128x128xf32, #tpu.memory_space<vmem>>, %arg13: memref<10240x128xf32, #tpu.memory_space<vmem_shared>>, %arg14: memref<2x!tpu.dma_semaphore, #tpu.memory_space<semaphore_mem>>, %arg15: memref<2x!tpu.dma_semaphore, #tpu.memory_space<semaphore_mem>>) attributes {dimension_semantics = [#tpu.dimension_semantics<core_parallel>, #tpu.dimension_semantics<subcore_parallel>], iteration_bounds = array<i64: 2, 16>, scalar_prefetch = 0 : i64, scratch_operands = 9 : i64, tpu.core_type = #tpu.core_type<sc_vector_subcore>, window_params = [{transform_indices = #map}, {transform_indices = #map}, {transform_indices = #map}, {transform_indices = #map}, {transform_indices = #map}]} {
    %mul3A = arith.constant 2 : i32
    %mul3A_0 = arith.muli %arg1, %mul3A : i32
    %add3A = arith.addi %mul3A_0, %arg0 : i32
    %mul3A_1 = arith.constant 80 : i32
    %mul3A_2 = arith.muli %add3A, %mul3A_1 : i32
    %mul3A_3 = arith.constant 640 : i32
    %mul3A_4 = arith.muli %arg1, %mul3A_3 : i32
    %mul3A_5 = arith.constant 640 : i32
    %mul3A_6 = arith.muli %arg1, %mul3A_5 : i32
    "tpu.region"() ({
      %run_scoped3A = tpu.sem_alloc : memref<!tpu.dma_semaphore, #tpu.memory_space<semaphore_mem>>
      %dma_start3A_50 = arith.constant 0 : i32
      %dma_start3A_51 = tpu.memref_slice %arg13[%mul3A_6, %dma_start3A_50] : memref<10240x128xf32, #tpu.memory_space<vmem_shared>> -> memref<640x128xf32, #tpu.memory_space<vmem_shared>>
      %dma_start3A_52 = arith.constant 0 : i32
      %dma_start3A_53 = tpu.memref_slice %arg5[%mul3A_4, %dma_start3A_52] : memref<10240x128xf32, #tpu.memory_space<hbm>> -> memref<640x128xf32, #tpu.memory_space<hbm>>
      tpu.enqueue_dma source(%dma_start3A_53 : memref<640x128xf32, #tpu.memory_space<hbm>>) target(%dma_start3A_51 : memref<640x128xf32, #tpu.memory_space<vmem_shared>>) target_semaphore(%run_scoped3A : memref<!tpu.dma_semaphore, #tpu.memory_space<semaphore_mem>>)
      %dma_wait3A_54 = arith.constant 0 : i32
      %dma_wait3A_55 = tpu.memref_slice %arg13[%mul3A_6, %dma_wait3A_54] : memref<10240x128xf32, #tpu.memory_space<vmem_shared>> -> memref<640x128xf32, #tpu.memory_space<vmem_shared>>
      %dma_wait3A_56 = arith.constant 0 : i32
      %dma_wait3A_57 = tpu.memref_slice %arg5[%mul3A_4, %dma_wait3A_56] : memref<10240x128xf32, #tpu.memory_space<hbm>> -> memref<640x128xf32, #tpu.memory_space<hbm>>
      tpu.wait_dma2 semaphore(%run_scoped3A : memref<!tpu.dma_semaphore, #tpu.memory_space<semaphore_mem>>) src(%dma_wait3A_57 : memref<640x128xf32, #tpu.memory_space<hbm>>) dst(%dma_wait3A_55 : memref<640x128xf32, #tpu.memory_space<vmem_shared>>)
      tpu.yield
    }) : () -> ()
    %barrier3A = arith.constant 0 : index
    tpu.barrier barrier_id(%barrier3A)
    %add3A_7 = arith.constant 0 : i32
    %add3A_8 = arith.addi %mul3A_2, %add3A_7 : i32
    "tpu.region"() ({
      %run_scoped3A = tpu.sem_alloc : memref<!tpu.dma_semaphore, #tpu.memory_space<semaphore_mem>>
      %dma_start3A_50 = arith.constant 0 : i32
      %dma_start3A_51 = tpu.memref_slice %arg2[%add3A_8, %dma_start3A_50] : memref<2560x128xi32, #tpu.memory_space<hbm>> -> memref<1x128xi32, #tpu.memory_space<hbm>>
      %dma_start3A_52 = tpu.memref_squeeze %dma_start3A_51 : memref<1x128xi32, #tpu.memory_space<hbm>> -> memref<128xi32, #tpu.memory_space<hbm>>
      %dma_start3A_53 = arith.constant 0 : i32
      %dma_start3A_54 = tpu.memref_slice %arg2[%add3A_8, %dma_start3A_53] : memref<2560x128xi32, #tpu.memory_space<hbm>> -> memref<1x128xi32, #tpu.memory_space<hbm>>
      %dma_start3A_55 = tpu.memref_squeeze %dma_start3A_54 : memref<1x128xi32, #tpu.memory_space<hbm>> -> memref<128xi32, #tpu.memory_space<hbm>>
      tpu.enqueue_dma source(%dma_start3A_55 : memref<128xi32, #tpu.memory_space<hbm>>) target(%arg7 : memref<128xi32, #tpu.memory_space<vmem>>) target_semaphore(%run_scoped3A : memref<!tpu.dma_semaphore, #tpu.memory_space<semaphore_mem>>)
      %dma_wait3A_56 = arith.constant 0 : i32
      %dma_wait3A_57 = tpu.memref_slice %arg2[%add3A_8, %dma_wait3A_56] : memref<2560x128xi32, #tpu.memory_space<hbm>> -> memref<1x128xi32, #tpu.memory_space<hbm>>
      %dma_wait3A_58 = tpu.memref_squeeze %dma_wait3A_57 : memref<1x128xi32, #tpu.memory_space<hbm>> -> memref<128xi32, #tpu.memory_space<hbm>>
      %dma_wait3A_59 = arith.constant 0 : i32
      %dma_wait3A_60 = tpu.memref_slice %arg2[%add3A_8, %dma_wait3A_59] : memref<2560x128xi32, #tpu.memory_space<hbm>> -> memref<1x128xi32, #tpu.memory_space<hbm>>
      %dma_wait3A_61 = tpu.memref_squeeze %dma_wait3A_60 : memref<1x128xi32, #tpu.memory_space<hbm>> -> memref<128xi32, #tpu.memory_space<hbm>>
      tpu.wait_dma2 semaphore(%run_scoped3A : memref<!tpu.dma_semaphore, #tpu.memory_space<semaphore_mem>>) src(%dma_wait3A_61 : memref<128xi32, #tpu.memory_space<hbm>>) dst(%arg7 : memref<128xi32, #tpu.memory_space<vmem>>)
      tpu.yield
    }) : () -> ()
    %add3A_9 = arith.constant 0 : i32
    %add3A_10 = arith.addi %mul3A_2, %add3A_9 : i32
    "tpu.region"() ({
      %run_scoped3A = tpu.sem_alloc : memref<!tpu.dma_semaphore, #tpu.memory_space<semaphore_mem>>
      %dma_start3A_50 = arith.constant 0 : i32
      %dma_start3A_51 = tpu.memref_slice %arg3[%add3A_10, %dma_start3A_50] : memref<2560x128xi32, #tpu.memory_space<hbm>> -> memref<1x128xi32, #tpu.memory_space<hbm>>
      %dma_start3A_52 = tpu.memref_squeeze %dma_start3A_51 : memref<1x128xi32, #tpu.memory_space<hbm>> -> memref<128xi32, #tpu.memory_space<hbm>>
      %dma_start3A_53 = arith.constant 0 : i32
      %dma_start3A_54 = tpu.memref_slice %arg3[%add3A_10, %dma_start3A_53] : memref<2560x128xi32, #tpu.memory_space<hbm>> -> memref<1x128xi32, #tpu.memory_space<hbm>>
      %dma_start3A_55 = tpu.memref_squeeze %dma_start3A_54 : memref<1x128xi32, #tpu.memory_space<hbm>> -> memref<128xi32, #tpu.memory_space<hbm>>
      tpu.enqueue_dma source(%dma_start3A_55 : memref<128xi32, #tpu.memory_space<hbm>>) target(%arg9 : memref<128xi32, #tpu.memory_space<vmem>>) target_semaphore(%run_scoped3A : memref<!tpu.dma_semaphore, #tpu.memory_space<semaphore_mem>>)
      %dma_wait3A_56 = arith.constant 0 : i32
      %dma_wait3A_57 = tpu.memref_slice %arg3[%add3A_10, %dma_wait3A_56] : memref<2560x128xi32, #tpu.memory_space<hbm>> -> memref<1x128xi32, #tpu.memory_space<hbm>>
      %dma_wait3A_58 = tpu.memref_squeeze %dma_wait3A_57 : memref<1x128xi32, #tpu.memory_space<hbm>> -> memref<128xi32, #tpu.memory_space<hbm>>
      %dma_wait3A_59 = arith.constant 0 : i32
      %dma_wait3A_60 = tpu.memref_slice %arg3[%add3A_10, %dma_wait3A_59] : memref<2560x128xi32, #tpu.memory_space<hbm>> -> memref<1x128xi32, #tpu.memory_space<hbm>>
      %dma_wait3A_61 = tpu.memref_squeeze %dma_wait3A_60 : memref<1x128xi32, #tpu.memory_space<hbm>> -> memref<128xi32, #tpu.memory_space<hbm>>
      tpu.wait_dma2 semaphore(%run_scoped3A : memref<!tpu.dma_semaphore, #tpu.memory_space<semaphore_mem>>) src(%dma_wait3A_61 : memref<128xi32, #tpu.memory_space<hbm>>) dst(%arg9 : memref<128xi32, #tpu.memory_space<vmem>>)
      tpu.yield
    }) : () -> ()
    %dma_start3A = arith.constant 0 : i32
    %dma_start3A_11 = arith.constant 0 : i32
    %dma_start3A_12 = arith.constant 0 : i32
    %dma_start3A_13 = tpu.memref_slice %arg4[%dma_start3A_11, %dma_start3A_12] : memref<10240x128xf32, #tpu.memory_space<hbm>> -> memref<10240x128xf32, #tpu.memory_space<hbm>>
    %dma_start3A_14 = tpu.memref_slice %arg14[%dma_start3A] : memref<2x!tpu.dma_semaphore, #tpu.memory_space<semaphore_mem>> -> memref<1x!tpu.dma_semaphore, #tpu.memory_space<semaphore_mem>>
    %dma_start3A_15 = tpu.memref_squeeze %dma_start3A_14 : memref<1x!tpu.dma_semaphore, #tpu.memory_space<semaphore_mem>> -> memref<!tpu.dma_semaphore, #tpu.memory_space<semaphore_mem>>
    tpu.enqueue_indirect_dma source(%dma_start3A_13 : memref<10240x128xf32, #tpu.memory_space<hbm>>) target(%arg11 : memref<128x128xf32, #tpu.memory_space<vmem>>) offsets(%arg9 : memref<128xi32, #tpu.memory_space<vmem>>) semaphore(%dma_start3A_15 : memref<!tpu.dma_semaphore, #tpu.memory_space<semaphore_mem>>)
    %add3A_16 = arith.constant 1 : i32
    %add3A_17 = arith.addi %mul3A_2, %add3A_16 : i32
    "tpu.region"() ({
      %run_scoped3A = tpu.sem_alloc : memref<!tpu.dma_semaphore, #tpu.memory_space<semaphore_mem>>
      %dma_start3A_50 = arith.constant 0 : i32
      %dma_start3A_51 = tpu.memref_slice %arg2[%add3A_17, %dma_start3A_50] : memref<2560x128xi32, #tpu.memory_space<hbm>> -> memref<1x128xi32, #tpu.memory_space<hbm>>
      %dma_start3A_52 = tpu.memref_squeeze %dma_start3A_51 : memref<1x128xi32, #tpu.memory_space<hbm>> -> memref<128xi32, #tpu.memory_space<hbm>>
      %dma_start3A_53 = arith.constant 0 : i32
      %dma_start3A_54 = tpu.memref_slice %arg2[%add3A_17, %dma_start3A_53] : memref<2560x128xi32, #tpu.memory_space<hbm>> -> memref<1x128xi32, #tpu.memory_space<hbm>>
      %dma_start3A_55 = tpu.memref_squeeze %dma_start3A_54 : memref<1x128xi32, #tpu.memory_space<hbm>> -> memref<128xi32, #tpu.memory_space<hbm>>
      tpu.enqueue_dma source(%dma_start3A_55 : memref<128xi32, #tpu.memory_space<hbm>>) target(%arg8 : memref<128xi32, #tpu.memory_space<vmem>>) target_semaphore(%run_scoped3A : memref<!tpu.dma_semaphore, #tpu.memory_space<semaphore_mem>>)
      %dma_wait3A_56 = arith.constant 0 : i32
      %dma_wait3A_57 = tpu.memref_slice %arg2[%add3A_17, %dma_wait3A_56] : memref<2560x128xi32, #tpu.memory_space<hbm>> -> memref<1x128xi32, #tpu.memory_space<hbm>>
      %dma_wait3A_58 = tpu.memref_squeeze %dma_wait3A_57 : memref<1x128xi32, #tpu.memory_space<hbm>> -> memref<128xi32, #tpu.memory_space<hbm>>
      %dma_wait3A_59 = arith.constant 0 : i32
      %dma_wait3A_60 = tpu.memref_slice %arg2[%add3A_17, %dma_wait3A_59] : memref<2560x128xi32, #tpu.memory_space<hbm>> -> memref<1x128xi32, #tpu.memory_space<hbm>>
      %dma_wait3A_61 = tpu.memref_squeeze %dma_wait3A_60 : memref<1x128xi32, #tpu.memory_space<hbm>> -> memref<128xi32, #tpu.memory_space<hbm>>
      tpu.wait_dma2 semaphore(%run_scoped3A : memref<!tpu.dma_semaphore, #tpu.memory_space<semaphore_mem>>) src(%dma_wait3A_61 : memref<128xi32, #tpu.memory_space<hbm>>) dst(%arg8 : memref<128xi32, #tpu.memory_space<vmem>>)
      tpu.yield
    }) : () -> ()
    %add3A_18 = arith.constant 1 : i32
    %add3A_19 = arith.addi %mul3A_2, %add3A_18 : i32
    "tpu.region"() ({
      %run_scoped3A = tpu.sem_alloc : memref<!tpu.dma_semaphore, #tpu.memory_space<semaphore_mem>>
      %dma_start3A_50 = arith.constant 0 : i32
      %dma_start3A_51 = tpu.memref_slice %arg3[%add3A_19, %dma_start3A_50] : memref<2560x128xi32, #tpu.memory_space<hbm>> -> memref<1x128xi32, #tpu.memory_space<hbm>>
      %dma_start3A_52 = tpu.memref_squeeze %dma_start3A_51 : memref<1x128xi32, #tpu.memory_space<hbm>> -> memref<128xi32, #tpu.memory_space<hbm>>
      %dma_start3A_53 = arith.constant 0 : i32
      %dma_start3A_54 = tpu.memref_slice %arg3[%add3A_19, %dma_start3A_53] : memref<2560x128xi32, #tpu.memory_space<hbm>> -> memref<1x128xi32, #tpu.memory_space<hbm>>
      %dma_start3A_55 = tpu.memref_squeeze %dma_start3A_54 : memref<1x128xi32, #tpu.memory_space<hbm>> -> memref<128xi32, #tpu.memory_space<hbm>>
      tpu.enqueue_dma source(%dma_start3A_55 : memref<128xi32, #tpu.memory_space<hbm>>) target(%arg10 : memref<128xi32, #tpu.memory_space<vmem>>) target_semaphore(%run_scoped3A : memref<!tpu.dma_semaphore, #tpu.memory_space<semaphore_mem>>)
      %dma_wait3A_56 = arith.constant 0 : i32
      %dma_wait3A_57 = tpu.memref_slice %arg3[%add3A_19, %dma_wait3A_56] : memref<2560x128xi32, #tpu.memory_space<hbm>> -> memref<1x128xi32, #tpu.memory_space<hbm>>
      %dma_wait3A_58 = tpu.memref_squeeze %dma_wait3A_57 : memref<1x128xi32, #tpu.memory_space<hbm>> -> memref<128xi32, #tpu.memory_space<hbm>>
      %dma_wait3A_59 = arith.constant 0 : i32
      %dma_wait3A_60 = tpu.memref_slice %arg3[%add3A_19, %dma_wait3A_59] : memref<2560x128xi32, #tpu.memory_space<hbm>> -> memref<1x128xi32, #tpu.memory_space<hbm>>
      %dma_wait3A_61 = tpu.memref_squeeze %dma_wait3A_60 : memref<1x128xi32, #tpu.memory_space<hbm>> -> memref<128xi32, #tpu.memory_space<hbm>>
      tpu.wait_dma2 semaphore(%run_scoped3A : memref<!tpu.dma_semaphore, #tpu.memory_space<semaphore_mem>>) src(%dma_wait3A_61 : memref<128xi32, #tpu.memory_space<hbm>>) dst(%arg10 : memref<128xi32, #tpu.memory_space<vmem>>)
      tpu.yield
    }) : () -> ()
    %dma_start3A_20 = arith.constant 1 : i32
    %dma_start3A_21 = arith.constant 0 : i32
    %dma_start3A_22 = arith.constant 0 : i32
    %dma_start3A_23 = tpu.memref_slice %arg4[%dma_start3A_21, %dma_start3A_22] : memref<10240x128xf32, #tpu.memory_space<hbm>> -> memref<10240x128xf32, #tpu.memory_space<hbm>>
    %dma_start3A_24 = tpu.memref_slice %arg14[%dma_start3A_20] : memref<2x!tpu.dma_semaphore, #tpu.memory_space<semaphore_mem>> -> memref<1x!tpu.dma_semaphore, #tpu.memory_space<semaphore_mem>>
    %dma_start3A_25 = tpu.memref_squeeze %dma_start3A_24 : memref<1x!tpu.dma_semaphore, #tpu.memory_space<semaphore_mem>> -> memref<!tpu.dma_semaphore, #tpu.memory_space<semaphore_mem>>
    tpu.enqueue_indirect_dma source(%dma_start3A_23 : memref<10240x128xf32, #tpu.memory_space<hbm>>) target(%arg12 : memref<128x128xf32, #tpu.memory_space<vmem>>) offsets(%arg10 : memref<128xi32, #tpu.memory_space<vmem>>) semaphore(%dma_start3A_25 : memref<!tpu.dma_semaphore, #tpu.memory_space<semaphore_mem>>)
    %scan3A = arith.constant 0 : i32
    %scan3A_26 = arith.constant 0 : i32
    %scan3A_27 = arith.constant 39 : i32
    %scan3A_28 = arith.addi %scan3A_26, %scan3A_27 : i32
    %scan3A_29 = arith.constant 1 : i32
    scf.for %scan3A_50 = %scan3A_26 to %scan3A_28 step %scan3A_29  : i32 {
      %mul3A_51 = arith.constant 2 : i32
      %mul3A_52 = arith.muli %scan3A_50, %mul3A_51 : i32
      %add3A_53 = arith.constant 0 : i32
      %add3A_54 = arith.addi %mul3A_52, %add3A_53 : i32
      %dma_wait3A_55 = arith.constant 0 : i32
      %dma_wait3A_56 = arith.constant 0 : i32
      %dma_wait3A_57 = arith.constant 0 : i32
      %dma_wait3A_58 = tpu.memref_slice %arg4[%dma_wait3A_56, %dma_wait3A_57] : memref<10240x128xf32, #tpu.memory_space<hbm>> -> memref<10240x128xf32, #tpu.memory_space<hbm>>
      %dma_wait3A_59 = tpu.memref_slice %arg14[%dma_wait3A_55] : memref<2x!tpu.dma_semaphore, #tpu.memory_space<semaphore_mem>> -> memref<1x!tpu.dma_semaphore, #tpu.memory_space<semaphore_mem>>
      %dma_wait3A_60 = tpu.memref_squeeze %dma_wait3A_59 : memref<1x!tpu.dma_semaphore, #tpu.memory_space<semaphore_mem>> -> memref<!tpu.dma_semaphore, #tpu.memory_space<semaphore_mem>>
      tpu.wait_indirect_dma semaphore(%dma_wait3A_60 : memref<!tpu.dma_semaphore, #tpu.memory_space<semaphore_mem>>) src(%dma_wait3A_58 : memref<10240x128xf32, #tpu.memory_space<hbm>>) dst(%arg11 : memref<128x128xf32, #tpu.memory_space<vmem>>)
      "tpu.region"() ({
        %run_scoped3A = tpu.sem_alloc : memref<!tpu.dma_semaphore, #tpu.memory_space<semaphore_mem>>
        %dma_start3A_167 = arith.constant 0 : i32
        %dma_start3A_168 = arith.constant 0 : i32
        %dma_start3A_169 = tpu.memref_slice %arg13[%dma_start3A_167, %dma_start3A_168] : memref<10240x128xf32, #tpu.memory_space<vmem_shared>> -> memref<10240x128xf32, #tpu.memory_space<vmem_shared>>
        tpu.enqueue_indirect_dma source(%arg11 : memref<128x128xf32, #tpu.memory_space<vmem>>) target(%dma_start3A_169 : memref<10240x128xf32, #tpu.memory_space<vmem_shared>>) offsets(%arg7 : memref<128xi32, #tpu.memory_space<vmem>>) semaphore(%run_scoped3A : memref<!tpu.dma_semaphore, #tpu.memory_space<semaphore_mem>>) {add = true}
        %dma_wait3A_170 = arith.constant 0 : i32
        %dma_wait3A_171 = arith.constant 0 : i32
        %dma_wait3A_172 = tpu.memref_slice %arg13[%dma_wait3A_170, %dma_wait3A_171] : memref<10240x128xf32, #tpu.memory_space<vmem_shared>> -> memref<10240x128xf32, #tpu.memory_space<vmem_shared>>
        tpu.wait_indirect_dma semaphore(%run_scoped3A : memref<!tpu.dma_semaphore, #tpu.memory_space<semaphore_mem>>) src(%arg11 : memref<128x128xf32, #tpu.memory_space<vmem>>) dst(%dma_wait3A_172 : memref<10240x128xf32, #tpu.memory_space<vmem_shared>>)
        tpu.yield
      }) : () -> ()
      %add3A_61 = arith.addi %mul3A_2, %add3A_54 : i32
      %add3A_62 = arith.constant 2 : i32
      %add3A_63 = arith.addi %add3A_61, %add3A_62 : i32
      %dma_start3A_64 = arith.constant 0 : i32
      %dma_start3A_65 = arith.constant 0 : i32
      %dma_start3A_66 = tpu.memref_slice %arg2[%add3A_63, %dma_start3A_65] : memref<2560x128xi32, #tpu.memory_space<hbm>> -> memref<1x128xi32, #tpu.memory_space<hbm>>
      %dma_start3A_67 = tpu.memref_squeeze %dma_start3A_66 : memref<1x128xi32, #tpu.memory_space<hbm>> -> memref<128xi32, #tpu.memory_space<hbm>>
      %dma_start3A_68 = tpu.memref_slice %arg15[%dma_start3A_64] : memref<2x!tpu.dma_semaphore, #tpu.memory_space<semaphore_mem>> -> memref<1x!tpu.dma_semaphore, #tpu.memory_space<semaphore_mem>>
      %dma_start3A_69 = tpu.memref_squeeze %dma_start3A_68 : memref<1x!tpu.dma_semaphore, #tpu.memory_space<semaphore_mem>> -> memref<!tpu.dma_semaphore, #tpu.memory_space<semaphore_mem>>
      %dma_start3A_70 = arith.constant 0 : i32
      %dma_start3A_71 = tpu.memref_slice %arg2[%add3A_63, %dma_start3A_70] : memref<2560x128xi32, #tpu.memory_space<hbm>> -> memref<1x128xi32, #tpu.memory_space<hbm>>
      %dma_start3A_72 = tpu.memref_squeeze %dma_start3A_71 : memref<1x128xi32, #tpu.memory_space<hbm>> -> memref<128xi32, #tpu.memory_space<hbm>>
      tpu.enqueue_dma source(%dma_start3A_72 : memref<128xi32, #tpu.memory_space<hbm>>) target(%arg7 : memref<128xi32, #tpu.memory_space<vmem>>) target_semaphore(%dma_start3A_69 : memref<!tpu.dma_semaphore, #tpu.memory_space<semaphore_mem>>)
      %add3A_73 = arith.addi %mul3A_2, %add3A_54 : i32
      %add3A_74 = arith.constant 2 : i32
      %add3A_75 = arith.addi %add3A_73, %add3A_74 : i32
      %dma_start3A_76 = arith.constant 0 : i32
      %dma_start3A_77 = arith.constant 0 : i32
      %dma_start3A_78 = tpu.memref_slice %arg3[%add3A_75, %dma_start3A_77] : memref<2560x128xi32, #tpu.memory_space<hbm>> -> memref<1x128xi32, #tpu.memory_space<hbm>>
      %dma_start3A_79 = tpu.memref_squeeze %dma_start3A_78 : memref<1x128xi32, #tpu.memory_space<hbm>> -> memref<128xi32, #tpu.memory_space<hbm>>
      %dma_start3A_80 = tpu.memref_slice %arg15[%dma_start3A_76] : memref<2x!tpu.dma_semaphore, #tpu.memory_space<semaphore_mem>> -> memref<1x!tpu.dma_semaphore, #tpu.memory_space<semaphore_mem>>
      %dma_start3A_81 = tpu.memref_squeeze %dma_start3A_80 : memref<1x!tpu.dma_semaphore, #tpu.memory_space<semaphore_mem>> -> memref<!tpu.dma_semaphore, #tpu.memory_space<semaphore_mem>>
      %dma_start3A_82 = arith.constant 0 : i32
      %dma_start3A_83 = tpu.memref_slice %arg3[%add3A_75, %dma_start3A_82] : memref<2560x128xi32, #tpu.memory_space<hbm>> -> memref<1x128xi32, #tpu.memory_space<hbm>>
      %dma_start3A_84 = tpu.memref_squeeze %dma_start3A_83 : memref<1x128xi32, #tpu.memory_space<hbm>> -> memref<128xi32, #tpu.memory_space<hbm>>
      tpu.enqueue_dma source(%dma_start3A_84 : memref<128xi32, #tpu.memory_space<hbm>>) target(%arg9 : memref<128xi32, #tpu.memory_space<vmem>>) target_semaphore(%dma_start3A_81 : memref<!tpu.dma_semaphore, #tpu.memory_space<semaphore_mem>>)
      %mul3A_85 = arith.constant 2 : i32
      %mul3A_86 = arith.muli %scan3A_50, %mul3A_85 : i32
      %add3A_87 = arith.constant 1 : i32
      %add3A_88 = arith.addi %mul3A_86, %add3A_87 : i32
      %dma_wait3A_89 = arith.constant 1 : i32
      %dma_wait3A_90 = arith.constant 0 : i32
      %dma_wait3A_91 = arith.constant 0 : i32
      %dma_wait3A_92 = tpu.memref_slice %arg4[%dma_wait3A_90, %dma_wait3A_91] : memref<10240x128xf32, #tpu.memory_space<hbm>> -> memref<10240x128xf32, #tpu.memory_space<hbm>>
      %dma_wait3A_93 = tpu.memref_slice %arg14[%dma_wait3A_89] : memref<2x!tpu.dma_semaphore, #tpu.memory_space<semaphore_mem>> -> memref<1x!tpu.dma_semaphore, #tpu.memory_space<semaphore_mem>>
      %dma_wait3A_94 = tpu.memref_squeeze %dma_wait3A_93 : memref<1x!tpu.dma_semaphore, #tpu.memory_space<semaphore_mem>> -> memref<!tpu.dma_semaphore, #tpu.memory_space<semaphore_mem>>
      tpu.wait_indirect_dma semaphore(%dma_wait3A_94 : memref<!tpu.dma_semaphore, #tpu.memory_space<semaphore_mem>>) src(%dma_wait3A_92 : memref<10240x128xf32, #tpu.memory_space<hbm>>) dst(%arg12 : memref<128x128xf32, #tpu.memory_space<vmem>>)
      "tpu.region"() ({
        %run_scoped3A = tpu.sem_alloc : memref<!tpu.dma_semaphore, #tpu.memory_space<semaphore_mem>>
        %dma_start3A_167 = arith.constant 0 : i32
        %dma_start3A_168 = arith.constant 0 : i32
        %dma_start3A_169 = tpu.memref_slice %arg13[%dma_start3A_167, %dma_start3A_168] : memref<10240x128xf32, #tpu.memory_space<vmem_shared>> -> memref<10240x128xf32, #tpu.memory_space<vmem_shared>>
        tpu.enqueue_indirect_dma source(%arg12 : memref<128x128xf32, #tpu.memory_space<vmem>>) target(%dma_start3A_169 : memref<10240x128xf32, #tpu.memory_space<vmem_shared>>) offsets(%arg8 : memref<128xi32, #tpu.memory_space<vmem>>) semaphore(%run_scoped3A : memref<!tpu.dma_semaphore, #tpu.memory_space<semaphore_mem>>) {add = true}
        %dma_wait3A_170 = arith.constant 0 : i32
        %dma_wait3A_171 = arith.constant 0 : i32
        %dma_wait3A_172 = tpu.memref_slice %arg13[%dma_wait3A_170, %dma_wait3A_171] : memref<10240x128xf32, #tpu.memory_space<vmem_shared>> -> memref<10240x128xf32, #tpu.memory_space<vmem_shared>>
        tpu.wait_indirect_dma semaphore(%run_scoped3A : memref<!tpu.dma_semaphore, #tpu.memory_space<semaphore_mem>>) src(%arg12 : memref<128x128xf32, #tpu.memory_space<vmem>>) dst(%dma_wait3A_172 : memref<10240x128xf32, #tpu.memory_space<vmem_shared>>)
        tpu.yield
      }) : () -> ()
      %add3A_95 = arith.addi %mul3A_2, %add3A_88 : i32
      %add3A_96 = arith.constant 2 : i32
      %add3A_97 = arith.addi %add3A_95, %add3A_96 : i32
      %dma_start3A_98 = arith.constant 1 : i32
      %dma_start3A_99 = arith.constant 0 : i32
      %dma_start3A_100 = tpu.memref_slice %arg2[%add3A_97, %dma_start3A_99] : memref<2560x128xi32, #tpu.memory_space<hbm>> -> memref<1x128xi32, #tpu.memory_space<hbm>>
      %dma_start3A_101 = tpu.memref_squeeze %dma_start3A_100 : memref<1x128xi32, #tpu.memory_space<hbm>> -> memref<128xi32, #tpu.memory_space<hbm>>
      %dma_start3A_102 = tpu.memref_slice %arg15[%dma_start3A_98] : memref<2x!tpu.dma_semaphore, #tpu.memory_space<semaphore_mem>> -> memref<1x!tpu.dma_semaphore, #tpu.memory_space<semaphore_mem>>
      %dma_start3A_103 = tpu.memref_squeeze %dma_start3A_102 : memref<1x!tpu.dma_semaphore, #tpu.memory_space<semaphore_mem>> -> memref<!tpu.dma_semaphore, #tpu.memory_space<semaphore_mem>>
      %dma_start3A_104 = arith.constant 0 : i32
      %dma_start3A_105 = tpu.memref_slice %arg2[%add3A_97, %dma_start3A_104] : memref<2560x128xi32, #tpu.memory_space<hbm>> -> memref<1x128xi32, #tpu.memory_space<hbm>>
      %dma_start3A_106 = tpu.memref_squeeze %dma_start3A_105 : memref<1x128xi32, #tpu.memory_space<hbm>> -> memref<128xi32, #tpu.memory_space<hbm>>
      tpu.enqueue_dma source(%dma_start3A_106 : memref<128xi32, #tpu.memory_space<hbm>>) target(%arg8 : memref<128xi32, #tpu.memory_space<vmem>>) target_semaphore(%dma_start3A_103 : memref<!tpu.dma_semaphore, #tpu.memory_space<semaphore_mem>>)
      %add3A_107 = arith.addi %mul3A_2, %add3A_88 : i32
      %add3A_108 = arith.constant 2 : i32
      %add3A_109 = arith.addi %add3A_107, %add3A_108 : i32
      %dma_start3A_110 = arith.constant 1 : i32
      %dma_start3A_111 = arith.constant 0 : i32
      %dma_start3A_112 = tpu.memref_slice %arg3[%add3A_109, %dma_start3A_111] : memref<2560x128xi32, #tpu.memory_space<hbm>> -> memref<1x128xi32, #tpu.memory_space<hbm>>
      %dma_start3A_113 = tpu.memref_squeeze %dma_start3A_112 : memref<1x128xi32, #tpu.memory_space<hbm>> -> memref<128xi32, #tpu.memory_space<hbm>>
      %dma_start3A_114 = tpu.memref_slice %arg15[%dma_start3A_110] : memref<2x!tpu.dma_semaphore, #tpu.memory_space<semaphore_mem>> -> memref<1x!tpu.dma_semaphore, #tpu.memory_space<semaphore_mem>>
      %dma_start3A_115 = tpu.memref_squeeze %dma_start3A_114 : memref<1x!tpu.dma_semaphore, #tpu.memory_space<semaphore_mem>> -> memref<!tpu.dma_semaphore, #tpu.memory_space<semaphore_mem>>
      %dma_start3A_116 = arith.constant 0 : i32
      %dma_start3A_117 = tpu.memref_slice %arg3[%add3A_109, %dma_start3A_116] : memref<2560x128xi32, #tpu.memory_space<hbm>> -> memref<1x128xi32, #tpu.memory_space<hbm>>
      %dma_start3A_118 = tpu.memref_squeeze %dma_start3A_117 : memref<1x128xi32, #tpu.memory_space<hbm>> -> memref<128xi32, #tpu.memory_space<hbm>>
      tpu.enqueue_dma source(%dma_start3A_118 : memref<128xi32, #tpu.memory_space<hbm>>) target(%arg10 : memref<128xi32, #tpu.memory_space<vmem>>) target_semaphore(%dma_start3A_115 : memref<!tpu.dma_semaphore, #tpu.memory_space<semaphore_mem>>)
      %dma_wait3A_119 = arith.constant 0 : i32
      %dma_wait3A_120 = arith.constant 0 : i32
      %dma_wait3A_121 = tpu.memref_slice %arg2[%mul3A_2, %dma_wait3A_120] : memref<2560x128xi32, #tpu.memory_space<hbm>> -> memref<1x128xi32, #tpu.memory_space<hbm>>
      %dma_wait3A_122 = tpu.memref_squeeze %dma_wait3A_121 : memref<1x128xi32, #tpu.memory_space<hbm>> -> memref<128xi32, #tpu.memory_space<hbm>>
      %dma_wait3A_123 = tpu.memref_slice %arg15[%dma_wait3A_119] : memref<2x!tpu.dma_semaphore, #tpu.memory_space<semaphore_mem>> -> memref<1x!tpu.dma_semaphore, #tpu.memory_space<semaphore_mem>>
      %dma_wait3A_124 = tpu.memref_squeeze %dma_wait3A_123 : memref<1x!tpu.dma_semaphore, #tpu.memory_space<semaphore_mem>> -> memref<!tpu.dma_semaphore, #tpu.memory_space<semaphore_mem>>
      %dma_wait3A_125 = arith.constant 0 : i32
      %dma_wait3A_126 = tpu.memref_slice %arg2[%mul3A_2, %dma_wait3A_125] : memref<2560x128xi32, #tpu.memory_space<hbm>> -> memref<1x128xi32, #tpu.memory_space<hbm>>
      %dma_wait3A_127 = tpu.memref_squeeze %dma_wait3A_126 : memref<1x128xi32, #tpu.memory_space<hbm>> -> memref<128xi32, #tpu.memory_space<hbm>>
      tpu.wait_dma2 semaphore(%dma_wait3A_124 : memref<!tpu.dma_semaphore, #tpu.memory_space<semaphore_mem>>) src(%dma_wait3A_127 : memref<128xi32, #tpu.memory_space<hbm>>) dst(%arg7 : memref<128xi32, #tpu.memory_space<vmem>>)
      %dma_wait3A_128 = arith.constant 0 : i32
      %dma_wait3A_129 = arith.constant 0 : i32
      %dma_wait3A_130 = tpu.memref_slice %arg3[%mul3A_2, %dma_wait3A_129] : memref<2560x128xi32, #tpu.memory_space<hbm>> -> memref<1x128xi32, #tpu.memory_space<hbm>>
      %dma_wait3A_131 = tpu.memref_squeeze %dma_wait3A_130 : memref<1x128xi32, #tpu.memory_space<hbm>> -> memref<128xi32, #tpu.memory_space<hbm>>
      %dma_wait3A_132 = tpu.memref_slice %arg15[%dma_wait3A_128] : memref<2x!tpu.dma_semaphore, #tpu.memory_space<semaphore_mem>> -> memref<1x!tpu.dma_semaphore, #tpu.memory_space<semaphore_mem>>
      %dma_wait3A_133 = tpu.memref_squeeze %dma_wait3A_132 : memref<1x!tpu.dma_semaphore, #tpu.memory_space<semaphore_mem>> -> memref<!tpu.dma_semaphore, #tpu.memory_space<semaphore_mem>>
      %dma_wait3A_134 = arith.constant 0 : i32
      %dma_wait3A_135 = tpu.memref_slice %arg3[%mul3A_2, %dma_wait3A_134] : memref<2560x128xi32, #tpu.memory_space<hbm>> -> memref<1x128xi32, #tpu.memory_space<hbm>>
      %dma_wait3A_136 = tpu.memref_squeeze %dma_wait3A_135 : memref<1x128xi32, #tpu.memory_space<hbm>> -> memref<128xi32, #tpu.memory_space<hbm>>
      tpu.wait_dma2 semaphore(%dma_wait3A_133 : memref<!tpu.dma_semaphore, #tpu.memory_space<semaphore_mem>>) src(%dma_wait3A_136 : memref<128xi32, #tpu.memory_space<hbm>>) dst(%arg9 : memref<128xi32, #tpu.memory_space<vmem>>)
      %dma_start3A_137 = arith.constant 0 : i32
      %dma_start3A_138 = arith.constant 0 : i32
      %dma_start3A_139 = arith.constant 0 : i32
      %dma_start3A_140 = tpu.memref_slice %arg4[%dma_start3A_138, %dma_start3A_139] : memref<10240x128xf32, #tpu.memory_space<hbm>> -> memref<10240x128xf32, #tpu.memory_space<hbm>>
      %dma_start3A_141 = tpu.memref_slice %arg14[%dma_start3A_137] : memref<2x!tpu.dma_semaphore, #tpu.memory_space<semaphore_mem>> -> memref<1x!tpu.dma_semaphore, #tpu.memory_space<semaphore_mem>>
      %dma_start3A_142 = tpu.memref_squeeze %dma_start3A_141 : memref<1x!tpu.dma_semaphore, #tpu.memory_space<semaphore_mem>> -> memref<!tpu.dma_semaphore, #tpu.memory_space<semaphore_mem>>
      tpu.enqueue_indirect_dma source(%dma_start3A_140 : memref<10240x128xf32, #tpu.memory_space<hbm>>) target(%arg11 : memref<128x128xf32, #tpu.memory_space<vmem>>) offsets(%arg9 : memref<128xi32, #tpu.memory_space<vmem>>) semaphore(%dma_start3A_142 : memref<!tpu.dma_semaphore, #tpu.memory_space<semaphore_mem>>)
      %dma_wait3A_143 = arith.constant 1 : i32
      %dma_wait3A_144 = arith.constant 0 : i32
      %dma_wait3A_145 = tpu.memref_slice %arg2[%mul3A_2, %dma_wait3A_144] : memref<2560x128xi32, #tpu.memory_space<hbm>> -> memref<1x128xi32, #tpu.memory_space<hbm>>
      %dma_wait3A_146 = tpu.memref_squeeze %dma_wait3A_145 : memref<1x128xi32, #tpu.memory_space<hbm>> -> memref<128xi32, #tpu.memory_space<hbm>>
      %dma_wait3A_147 = tpu.memref_slice %arg15[%dma_wait3A_143] : memref<2x!tpu.dma_semaphore, #tpu.memory_space<semaphore_mem>> -> memref<1x!tpu.dma_semaphore, #tpu.memory_space<semaphore_mem>>
      %dma_wait3A_148 = tpu.memref_squeeze %dma_wait3A_147 : memref<1x!tpu.dma_semaphore, #tpu.memory_space<semaphore_mem>> -> memref<!tpu.dma_semaphore, #tpu.memory_space<semaphore_mem>>
      %dma_wait3A_149 = arith.constant 0 : i32
      %dma_wait3A_150 = tpu.memref_slice %arg2[%mul3A_2, %dma_wait3A_149] : memref<2560x128xi32, #tpu.memory_space<hbm>> -> memref<1x128xi32, #tpu.memory_space<hbm>>
      %dma_wait3A_151 = tpu.memref_squeeze %dma_wait3A_150 : memref<1x128xi32, #tpu.memory_space<hbm>> -> memref<128xi32, #tpu.memory_space<hbm>>
      tpu.wait_dma2 semaphore(%dma_wait3A_148 : memref<!tpu.dma_semaphore, #tpu.memory_space<semaphore_mem>>) src(%dma_wait3A_151 : memref<128xi32, #tpu.memory_space<hbm>>) dst(%arg8 : memref<128xi32, #tpu.memory_space<vmem>>)
      %dma_wait3A_152 = arith.constant 1 : i32
      %dma_wait3A_153 = arith.constant 0 : i32
      %dma_wait3A_154 = tpu.memref_slice %arg3[%mul3A_2, %dma_wait3A_153] : memref<2560x128xi32, #tpu.memory_space<hbm>> -> memref<1x128xi32, #tpu.memory_space<hbm>>
      %dma_wait3A_155 = tpu.memref_squeeze %dma_wait3A_154 : memref<1x128xi32, #tpu.memory_space<hbm>> -> memref<128xi32, #tpu.memory_space<hbm>>
      %dma_wait3A_156 = tpu.memref_slice %arg15[%dma_wait3A_152] : memref<2x!tpu.dma_semaphore, #tpu.memory_space<semaphore_mem>> -> memref<1x!tpu.dma_semaphore, #tpu.memory_space<semaphore_mem>>
      %dma_wait3A_157 = tpu.memref_squeeze %dma_wait3A_156 : memref<1x!tpu.dma_semaphore, #tpu.memory_space<semaphore_mem>> -> memref<!tpu.dma_semaphore, #tpu.memory_space<semaphore_mem>>
      %dma_wait3A_158 = arith.constant 0 : i32
      %dma_wait3A_159 = tpu.memref_slice %arg3[%mul3A_2, %dma_wait3A_158] : memref<2560x128xi32, #tpu.memory_space<hbm>> -> memref<1x128xi32, #tpu.memory_space<hbm>>
      %dma_wait3A_160 = tpu.memref_squeeze %dma_wait3A_159 : memref<1x128xi32, #tpu.memory_space<hbm>> -> memref<128xi32, #tpu.memory_space<hbm>>
      tpu.wait_dma2 semaphore(%dma_wait3A_157 : memref<!tpu.dma_semaphore, #tpu.memory_space<semaphore_mem>>) src(%dma_wait3A_160 : memref<128xi32, #tpu.memory_space<hbm>>) dst(%arg10 : memref<128xi32, #tpu.memory_space<vmem>>)
      %dma_start3A_161 = arith.constant 1 : i32
      %dma_start3A_162 = arith.constant 0 : i32
      %dma_start3A_163 = arith.constant 0 : i32
      %dma_start3A_164 = tpu.memref_slice %arg4[%dma_start3A_162, %dma_start3A_163] : memref<10240x128xf32, #tpu.memory_space<hbm>> -> memref<10240x128xf32, #tpu.memory_space<hbm>>
      %dma_start3A_165 = tpu.memref_slice %arg14[%dma_start3A_161] : memref<2x!tpu.dma_semaphore, #tpu.memory_space<semaphore_mem>> -> memref<1x!tpu.dma_semaphore, #tpu.memory_space<semaphore_mem>>
      %dma_start3A_166 = tpu.memref_squeeze %dma_start3A_165 : memref<1x!tpu.dma_semaphore, #tpu.memory_space<semaphore_mem>> -> memref<!tpu.dma_semaphore, #tpu.memory_space<semaphore_mem>>
      tpu.enqueue_indirect_dma source(%dma_start3A_164 : memref<10240x128xf32, #tpu.memory_space<hbm>>) target(%arg12 : memref<128x128xf32, #tpu.memory_space<vmem>>) offsets(%arg10 : memref<128xi32, #tpu.memory_space<vmem>>) semaphore(%dma_start3A_166 : memref<!tpu.dma_semaphore, #tpu.memory_space<semaphore_mem>>)
    }
    %scan3A_30 = arith.constant 39 : i32
    %dma_wait3A = arith.constant 0 : i32
    %dma_wait3A_31 = arith.constant 0 : i32
    %dma_wait3A_32 = arith.constant 0 : i32
    %dma_wait3A_33 = tpu.memref_slice %arg4[%dma_wait3A_31, %dma_wait3A_32] : memref<10240x128xf32, #tpu.memory_space<hbm>> -> memref<10240x128xf32, #tpu.memory_space<hbm>>
    %dma_wait3A_34 = tpu.memref_slice %arg14[%dma_wait3A] : memref<2x!tpu.dma_semaphore, #tpu.memory_space<semaphore_mem>> -> memref<1x!tpu.dma_semaphore, #tpu.memory_space<semaphore_mem>>
    %dma_wait3A_35 = tpu.memref_squeeze %dma_wait3A_34 : memref<1x!tpu.dma_semaphore, #tpu.memory_space<semaphore_mem>> -> memref<!tpu.dma_semaphore, #tpu.memory_space<semaphore_mem>>
    tpu.wait_indirect_dma semaphore(%dma_wait3A_35 : memref<!tpu.dma_semaphore, #tpu.memory_space<semaphore_mem>>) src(%dma_wait3A_33 : memref<10240x128xf32, #tpu.memory_space<hbm>>) dst(%arg11 : memref<128x128xf32, #tpu.memory_space<vmem>>)
    "tpu.region"() ({
      %run_scoped3A = tpu.sem_alloc : memref<!tpu.dma_semaphore, #tpu.memory_space<semaphore_mem>>
      %dma_start3A_50 = arith.constant 0 : i32
      %dma_start3A_51 = arith.constant 0 : i32
      %dma_start3A_52 = tpu.memref_slice %arg13[%dma_start3A_50, %dma_start3A_51] : memref<10240x128xf32, #tpu.memory_space<vmem_shared>> -> memref<10240x128xf32, #tpu.memory_space<vmem_shared>>
      tpu.enqueue_indirect_dma source(%arg11 : memref<128x128xf32, #tpu.memory_space<vmem>>) target(%dma_start3A_52 : memref<10240x128xf32, #tpu.memory_space<vmem_shared>>) offsets(%arg7 : memref<128xi32, #tpu.memory_space<vmem>>) semaphore(%run_scoped3A : memref<!tpu.dma_semaphore, #tpu.memory_space<semaphore_mem>>) {add = true}
      %dma_wait3A_53 = arith.constant 0 : i32
      %dma_wait3A_54 = arith.constant 0 : i32
      %dma_wait3A_55 = tpu.memref_slice %arg13[%dma_wait3A_53, %dma_wait3A_54] : memref<10240x128xf32, #tpu.memory_space<vmem_shared>> -> memref<10240x128xf32, #tpu.memory_space<vmem_shared>>
      tpu.wait_indirect_dma semaphore(%run_scoped3A : memref<!tpu.dma_semaphore, #tpu.memory_space<semaphore_mem>>) src(%arg11 : memref<128x128xf32, #tpu.memory_space<vmem>>) dst(%dma_wait3A_55 : memref<10240x128xf32, #tpu.memory_space<vmem_shared>>)
      tpu.yield
    }) : () -> ()
    %dma_wait3A_36 = arith.constant 1 : i32
    %dma_wait3A_37 = arith.constant 0 : i32
    %dma_wait3A_38 = arith.constant 0 : i32
    %dma_wait3A_39 = tpu.memref_slice %arg4[%dma_wait3A_37, %dma_wait3A_38] : memref<10240x128xf32, #tpu.memory_space<hbm>> -> memref<10240x128xf32, #tpu.memory_space<hbm>>
    %dma_wait3A_40 = tpu.memref_slice %arg14[%dma_wait3A_36] : memref<2x!tpu.dma_semaphore, #tpu.memory_space<semaphore_mem>> -> memref<1x!tpu.dma_semaphore, #tpu.memory_space<semaphore_mem>>
    %dma_wait3A_41 = tpu.memref_squeeze %dma_wait3A_40 : memref<1x!tpu.dma_semaphore, #tpu.memory_space<semaphore_mem>> -> memref<!tpu.dma_semaphore, #tpu.memory_space<semaphore_mem>>
    tpu.wait_indirect_dma semaphore(%dma_wait3A_41 : memref<!tpu.dma_semaphore, #tpu.memory_space<semaphore_mem>>) src(%dma_wait3A_39 : memref<10240x128xf32, #tpu.memory_space<hbm>>) dst(%arg12 : memref<128x128xf32, #tpu.memory_space<vmem>>)
    "tpu.region"() ({
      %run_scoped3A = tpu.sem_alloc : memref<!tpu.dma_semaphore, #tpu.memory_space<semaphore_mem>>
      %dma_start3A_50 = arith.constant 0 : i32
      %dma_start3A_51 = arith.constant 0 : i32
      %dma_start3A_52 = tpu.memref_slice %arg13[%dma_start3A_50, %dma_start3A_51] : memref<10240x128xf32, #tpu.memory_space<vmem_shared>> -> memref<10240x128xf32, #tpu.memory_space<vmem_shared>>
      tpu.enqueue_indirect_dma source(%arg12 : memref<128x128xf32, #tpu.memory_space<vmem>>) target(%dma_start3A_52 : memref<10240x128xf32, #tpu.memory_space<vmem_shared>>) offsets(%arg8 : memref<128xi32, #tpu.memory_space<vmem>>) semaphore(%run_scoped3A : memref<!tpu.dma_semaphore, #tpu.memory_space<semaphore_mem>>) {add = true}
      %dma_wait3A_53 = arith.constant 0 : i32
      %dma_wait3A_54 = arith.constant 0 : i32
      %dma_wait3A_55 = tpu.memref_slice %arg13[%dma_wait3A_53, %dma_wait3A_54] : memref<10240x128xf32, #tpu.memory_space<vmem_shared>> -> memref<10240x128xf32, #tpu.memory_space<vmem_shared>>
      tpu.wait_indirect_dma semaphore(%run_scoped3A : memref<!tpu.dma_semaphore, #tpu.memory_space<semaphore_mem>>) src(%arg12 : memref<128x128xf32, #tpu.memory_space<vmem>>) dst(%dma_wait3A_55 : memref<10240x128xf32, #tpu.memory_space<vmem_shared>>)
      tpu.yield
    }) : () -> ()
    %barrier3A_42 = arith.constant 0 : index
    tpu.barrier barrier_id(%barrier3A_42)
    %mul3A_43 = arith.constant 640 : i32
    %mul3A_44 = arith.muli %arg1, %mul3A_43 : i32
    %mul3A_45 = arith.constant 10240 : i32
    %mul3A_46 = arith.muli %arg0, %mul3A_45 : i32
    %mul3A_47 = arith.constant 640 : i32
    %mul3A_48 = arith.muli %arg1, %mul3A_47 : i32
    %add3A_49 = arith.addi %mul3A_46, %mul3A_48 : i32
    "tpu.region"() ({
      %run_scoped3A = tpu.sem_alloc : memref<!tpu.dma_semaphore, #tpu.memory_space<semaphore_mem>>
      %dma_start3A_50 = arith.constant 0 : i32
      %dma_start3A_51 = tpu.memref_slice %arg6[%add3A_49, %dma_start3A_50] : memref<20480x128xf32, #tpu.memory_space<hbm>> -> memref<640x128xf32, #tpu.memory_space<hbm>>
      %dma_start3A_52 = arith.constant 0 : i32
      %dma_start3A_53 = tpu.memref_slice %arg13[%mul3A_44, %dma_start3A_52] : memref<10240x128xf32, #tpu.memory_space<vmem_shared>> -> memref<640x128xf32, #tpu.memory_space<vmem_shared>>
      tpu.enqueue_dma source(%dma_start3A_53 : memref<640x128xf32, #tpu.memory_space<vmem_shared>>) target(%dma_start3A_51 : memref<640x128xf32, #tpu.memory_space<hbm>>) target_semaphore(%run_scoped3A : memref<!tpu.dma_semaphore, #tpu.memory_space<semaphore_mem>>)
      %dma_wait3A_54 = arith.constant 0 : i32
      %dma_wait3A_55 = tpu.memref_slice %arg6[%add3A_49, %dma_wait3A_54] : memref<20480x128xf32, #tpu.memory_space<hbm>> -> memref<640x128xf32, #tpu.memory_space<hbm>>
      %dma_wait3A_56 = arith.constant 0 : i32
      %dma_wait3A_57 = tpu.memref_slice %arg13[%mul3A_44, %dma_wait3A_56] : memref<10240x128xf32, #tpu.memory_space<vmem_shared>> -> memref<640x128xf32, #tpu.memory_space<vmem_shared>>
      tpu.wait_dma2 semaphore(%run_scoped3A : memref<!tpu.dma_semaphore, #tpu.memory_space<semaphore_mem>>) src(%dma_wait3A_57 : memref<640x128xf32, #tpu.memory_space<vmem_shared>>) dst(%dma_wait3A_55 : memref<640x128xf32, #tpu.memory_space<hbm>>)
      tpu.yield
    }) : () -> ()
    return
  }
}

module attributes {stable_mosaic.version = 14 : i64} {
  func.func @_lin_body(%arg0: i32, %arg1: memref<1024x128xf32, #tpu.memory_space<vmem>>, %arg2: memref<128x128xf32, #tpu.memory_space<vmem>>, %arg3: memref<1x128xf32, #tpu.memory_space<vmem>>, %arg4: memref<1024xf32, #tpu.memory_space<vmem>>, %arg5: memref<1024xf32, #tpu.memory_space<vmem>>, %arg6: memref<1024x128xf32, #tpu.memory_space<vmem>>) attributes {dimension_semantics = [#tpu.dimension_semantics<arbitrary>], iteration_bounds = array<i64: 10>, scalar_prefetch = 0 : i64, scratch_operands = 0 : i64, tpu.core_type = #tpu.core_type<tc>, window_params = [{transform_indices = @transform_0, window_bounds = array<i64: 1024, 128>}, {pipeline_mode = #tpu.pipeline_mode<synchronous>, transform_indices = @transform_1, window_bounds = array<i64: 128, 128>}, {pipeline_mode = #tpu.pipeline_mode<synchronous>, transform_indices = @transform_2, window_bounds = array<i64: 1, 128>}, {transform_indices = @transform_3, window_bounds = array<i64: 1024>}, {transform_indices = @transform_4, window_bounds = array<i64: 1024>}, {transform_indices = @transform_5, window_bounds = array<i64: 1024, 128>}]} {
    %get3A = arith.constant 0 : index
    %get3A_0 = vector.load %arg4[%get3A] : memref<1024xf32, #tpu.memory_space<vmem>>, vector<1024xf32>
    %get3A_1 = arith.constant 0 : index
    %get3A_2 = vector.load %arg5[%get3A_1] : memref<1024xf32, #tpu.memory_space<vmem>>, vector<1024xf32>
    %add3A = arith.addf %get3A_0, %get3A_2 : vector<1024xf32>
    %gt3A = arith.constant 0.000000e+00 : f32
    %gt3A_3 = vector.broadcast %gt3A : f32 to vector<1024xf32>
    %gt3A_4 = arith.cmpf ogt, %add3A, %gt3A_3 : vector<1024xf32>
    %rsqrt3A = math.rsqrt %add3A : vector<1024xf32>
    %jit3A = arith.constant 0.000000e+00 : f32
    %broadcast_in_dim3A = vector.broadcast %jit3A : f32 to vector<1024xf32>
    %select_n3A = arith.select %gt3A_4, %rsqrt3A, %broadcast_in_dim3A : vector<1024xi1>, vector<1024xf32>
    %get3A_5 = arith.constant 0 : index
    %get3A_6 = arith.constant 0 : index
    %get3A_7 = vector.load %arg1[%get3A_5, %get3A_6] : memref<1024x128xf32, #tpu.memory_space<vmem>>, vector<1024x128xf32>
    %get3A_8 = arith.constant 0 : index
    %get3A_9 = arith.constant 0 : index
    %get3A_10 = vector.load %arg2[%get3A_8, %get3A_9] : memref<128x128xf32, #tpu.memory_space<vmem>>, vector<128x128xf32>
    %dot_general3A = arith.constant dense<0.000000e+00> : vector<1024x128xf32>
    %dot_general3A_11 = tpu.matmul %get3A_7, %get3A_10, %dot_general3A {dimension_numbers = #tpu.dot_dimension_numbers<[1], [0], [0], [1], [0, 0, 1, 1], [], []>, transpose_lhs_hint = false} : vector<1024x128xf32>, vector<128x128xf32>, vector<1024x128xf32> -> vector<1024x128xf32>
    %get3A_12 = arith.constant 0 : index
    %get3A_13 = arith.constant 0 : index
    %get3A_14 = vector.load %arg3[%get3A_12, %get3A_13] : memref<1x128xf32, #tpu.memory_space<vmem>>, vector<1x128xf32>
    %add3A_15 = vector.broadcast %get3A_14 : vector<1x128xf32> to vector<1024x128xf32>
    %add3A_16 = arith.addf %dot_general3A_11, %add3A_15 : vector<1024x128xf32>
    %broadcast_in_dim3A_17 = vector.shape_cast %select_n3A : vector<1024xf32> to vector<1024x1xf32>
    %mul3A = vector.broadcast %broadcast_in_dim3A_17 : vector<1024x1xf32> to vector<1024x128xf32>
    %mul3A_18 = arith.mulf %add3A_16, %mul3A : vector<1024x128xf32>
    %swap3A = arith.constant 0 : index
    %swap3A_19 = arith.constant 0 : index
    %swap3A_20 = vector.load %arg6[%swap3A, %swap3A_19] : memref<1024x128xf32, #tpu.memory_space<vmem>>, vector<1024x128xf32>
    tpu.vector_store %arg6[%swap3A, %swap3A_19], %mul3A_18 {strides = array<i32>} : memref<1024x128xf32, #tpu.memory_space<vmem>>, vector<1024x128xf32>,
    return
  }
  func.func @transform_0(%arg0: i32) -> (i32, i32) {
    %c0_i32 = arith.constant 0 : i32
    %c0_i32_0 = arith.constant 0 : i32
    return %arg0, %c0_i32 : i32, i32
  }
  func.func @transform_1(%arg0: i32) -> (i32, i32) {
    %c0_i32 = arith.constant 0 : i32
    %c0_i32_0 = arith.constant 0 : i32
    %c0_i32_1 = arith.constant 0 : i32
    return %c0_i32, %c0_i32_0 : i32, i32
  }
  func.func @transform_2(%arg0: i32) -> (i32, i32) {
    %c0_i32 = arith.constant 0 : i32
    %c0_i32_0 = arith.constant 0 : i32
    %c0_i32_1 = arith.constant 0 : i32
    return %c0_i32, %c0_i32_0 : i32, i32
  }
  func.func @transform_3(%arg0: i32) -> i32 {
    %c0_i32 = arith.constant 0 : i32
    return %arg0 : i32
  }
  func.func @transform_4(%arg0: i32) -> i32 {
    %c0_i32 = arith.constant 0 : i32
    return %arg0 : i32
  }
  func.func @transform_5(%arg0: i32) -> (i32, i32) {
    %c0_i32 = arith.constant 0 : i32
    %c0_i32_0 = arith.constant 0 : i32
    return %arg0, %c0_i32 : i32, i32
  }
}

module attributes {stable_mosaic.version = 14 : i64} {
  func.func @_fin_body(%arg0: i32, %arg1: memref<2x1024x128xf32, #tpu.memory_space<vmem>>, %arg2: memref<1024xf32, #tpu.memory_space<vmem>>, %arg3: memref<1024xf32, #tpu.memory_space<vmem>>, %arg4: memref<1024x128xf32, #tpu.memory_space<vmem>>) attributes {dimension_semantics = [#tpu.dimension_semantics<arbitrary>], iteration_bounds = array<i64: 10>, scalar_prefetch = 0 : i64, scratch_operands = 0 : i64, tpu.core_type = #tpu.core_type<tc>, window_params = [{transform_indices = @transform_0, window_bounds = array<i64: 2, 1024, 128>}, {transform_indices = @transform_1, window_bounds = array<i64: 1024>}, {transform_indices = @transform_2, window_bounds = array<i64: 1024>}, {transform_indices = @transform_3, window_bounds = array<i64: 1024, 128>}]} {
    %get3A = arith.constant 0 : index
    %get3A_0 = vector.load %arg2[%get3A] : memref<1024xf32, #tpu.memory_space<vmem>>, vector<1024xf32>
    %get3A_1 = arith.constant 0 : index
    %get3A_2 = vector.load %arg3[%get3A_1] : memref<1024xf32, #tpu.memory_space<vmem>>, vector<1024xf32>
    %add3A = arith.addf %get3A_0, %get3A_2 : vector<1024xf32>
    %gt3A = arith.constant 0.000000e+00 : f32
    %gt3A_3 = vector.broadcast %gt3A : f32 to vector<1024xf32>
    %gt3A_4 = arith.cmpf ogt, %add3A, %gt3A_3 : vector<1024xf32>
    %rsqrt3A = math.rsqrt %add3A : vector<1024xf32>
    %jit3A = arith.constant 0.000000e+00 : f32
    %broadcast_in_dim3A = vector.broadcast %jit3A : f32 to vector<1024xf32>
    %select_n3A = arith.select %gt3A_4, %rsqrt3A, %broadcast_in_dim3A : vector<1024xi1>, vector<1024xf32>
    %get3A_5 = arith.constant 0 : index
    %get3A_6 = arith.constant 0 : index
    %get3A_7 = arith.constant 0 : index
    %get3A_8 = vector.load %arg1[%get3A_5, %get3A_6, %get3A_7] : memref<2x1024x128xf32, #tpu.memory_space<vmem>>, vector<1x1024x128xf32>
    %get3A_9 = vector.shape_cast %get3A_8 : vector<1x1024x128xf32> to vector<1024x128xf32>
    %get3A_10 = arith.constant 1 : index
    %get3A_11 = arith.constant 0 : index
    %get3A_12 = arith.constant 0 : index
    %get3A_13 = vector.load %arg1[%get3A_10, %get3A_11, %get3A_12] : memref<2x1024x128xf32, #tpu.memory_space<vmem>>, vector<1x1024x128xf32>
    %get3A_14 = vector.shape_cast %get3A_13 : vector<1x1024x128xf32> to vector<1024x128xf32>
    %add3A_15 = arith.addf %get3A_9, %get3A_14 : vector<1024x128xf32>
    %broadcast_in_dim3A_16 = vector.shape_cast %select_n3A : vector<1024xf32> to vector<1024x1xf32>
    %mul3A = vector.broadcast %broadcast_in_dim3A_16 : vector<1024x1xf32> to vector<1024x128xf32>
    %mul3A_17 = arith.mulf %add3A_15, %mul3A : vector<1024x128xf32>
    %swap3A = arith.constant 0 : index
    %swap3A_18 = arith.constant 0 : index
    %swap3A_19 = vector.load %arg4[%swap3A, %swap3A_18] : memref<1024x128xf32, #tpu.memory_space<vmem>>, vector<1024x128xf32>
    tpu.vector_store %arg4[%swap3A, %swap3A_18], %mul3A_17 {strides = array<i32>} : memref<1024x128xf32, #tpu.memory_space<vmem>>, vector<1024x128xf32>,
    return
  }
  func.func @transform_0(%arg0: i32) -> (i32, i32, i32) {
    %c0_i32 = arith.constant 0 : i32
    %c0_i32_0 = arith.constant 0 : i32
    %c0_i32_1 = arith.constant 0 : i32
    return %c0_i32, %arg0, %c0_i32_0 : i32, i32, i32
  }
  func.func @transform_1(%arg0: i32) -> i32 {
    %c0_i32 = arith.constant 0 : i32
    return %arg0 : i32
  }
  func.func @transform_2(%arg0: i32) -> i32 {
    %c0_i32 = arith.constant 0 : i32
    return %arg0 : i32
  }
  func.func @transform_3(%arg0: i32) -> (i32, i32) {
    %c0_i32 = arith.constant 0 : i32
    %c0_i32_0 = arith.constant 0 : i32
    return %arg0, %c0_i32 : i32, i32
  }
}

</mosaic_0001>

<sc_bundles>
// kernel: kernel.6.cloned.1.call-start
scs
__scs_entry_jumppad:
0x0: {  	(pc) =	sbr.rel $0x88, $3  }
0x1: {  	(tag) =	ssettag $0x0;
	lr =	simm.s32 $0x1  }
0x2: {  	[smem:$0x3F9D] =	sst lr;
	_ =	strace $0xD0000000  }
0x3: {  	_ = 	snop  }
0x4: {  	_ = 	snop  }
0x5: {  	_ = 	snop  }
0x6: {  	_ = 	snop  }
0x7: {  	_ = 	snop  }
__scs_overlays_trampoline_lowered:
0x8: {  	[smem:$0x3FAC] =	sst s0  }
0x9: {  	[smem:$0x3FAD] =	sst s1  }
0xa: {  	[smem:$0x3FAE] =	sst s2  }
0xb: {  	[smem:$0x3FAF] =	sst s3  }
0xc: {  	[smem:$0x3FB0] =	sst s4  }
0xd: {  	[smem:$0x3FB1] =	sst s5  }
0xe: {  	[smem:$0x3FB2] =	sst s6  }
0xf: {  	[smem:$0x3FB3] =	sst s7  }
0x10: {  	[smem:$0x3FB4] =	sst s8  }
0x11: {  	[smem:$0x3FB5] =	sst s9;
	s0 =	simm.s32 @!p0 $0x0  }
0x12: {  	s1 =	sld [smem:$0x3F9B];
	s0 =	simm.s32 @p0 $0x1  }
0x13: {  	[smem:$0x3FB6] =	sst s0;
	s0 =	simm.s32 @!p1 $0x0  }
0x14: {  	s2 =	sld [smem:$0x3F9A];
	s0 =	simm.s32 @p1 $0x1  }
0x15: {  	[smem:$0x3FB7] =	sst s0;
	s0 =	simm.s32 @!p2 $0x0  }
0x16: {  	s3 =	sld [smem:$0x3FDB];
	s0 =	simm.s32 @p2 $0x1  }
0x17: {  	s4 =	simm.s32 $0x1BF5;
	[smem:$0x3FB9] =	sst s0  }
0x18: {  	s0 =	sld [smem:$0x3F9C];
	_ =	swait.ge [sflag:s4], $0x0  }
0x19: {  	s7 =	sld [smem:$0x3F9D]  }
0x1a: {  	s8 =	sadd.s32 $0xFFFFE003, lr  }
0x1b: {  	s9 =	sadd.s32 $0xFFFFFEF7, lr;
	s5 =	simm.s32 $0xFFFFFFFF;
	p2 =	slt.u32 s8, $0xFFFFF086  }
0x1c: {  	p1 =	slt.u32 s9, $0xF7A;
	s5 =	simm.s32 @!p2 $0x0  }
0x1d: {  	s5 =	simm.s32 @p1 $0x1;
	p0 =	seq.s32 s7, s2  }
0x1e: {  	s7 =	smul.u32 @!p0 $0xF7A, s2;
	p2 =	seq.s32 @!p0 s5, $0x0  }
0x1f: {  	s9 =	smul.u32 $0xF7A, s1;
	s8 =	simm.s32 @!p0 $0x1BF5;
	p2 =	por !p2, p0  }
0x20: {  	[sflag:s8] =	ssyncset.s32 @!p0 $0xFFFFF086;
	s6 =	sadd.s32 @!p0 s3, s7;
	s7 =	simm.s32 @!p0 $0x108  }
0x21: {  	s3 =	sadd.s32 s3, s9;
	s6 =	sadd.s32 @!p0 $0x88, s6;
	s7 =	simm.s32 @p2 $0x1082  }
0x22: {  	[simem:s7], [sflag:s8] =	dma.local @!p0 [hbm:s6], $0xF7A  }
0x23: {  	s9 =	sor.u32 $0xD0000000, s2;
	s6 =	simm.s32 $0x108;
	_ =	swait.ge @!p0 [sflag:s8], $0x0  }
0x24: {  	s3 =	sadd.s32 $0x88, s3;
	s6 =	simm.s32 @!p1 $0x1082;
	[sflag:s4] =	ssyncset.s32 $0xFFFFF086  }
0x25: {  	[simem:s6], [sflag:s4] =	dma.local [hbm:s3], $0xF7A  }
0x26: {  	[smem:$0x3F9D] =	sst s1;
	(tag) =	ssettag s2;
	_ =	strace s9  }
0x27: {  	s1 =	sld [smem:$0x3FAD]  }
0x28: {  	s2 =	sld [smem:$0x3FAE]  }
0x29: {  	s4 =	sld [smem:$0x3FB0]  }
0x2a: {  	p0 =	seq.s32 s5, $0x0;
	s5 =	sld [smem:$0x3FB1]  }
0x2b: {  	s6 =	sld [smem:$0x3FB2]  }
0x2c: {  	s7 =	sld [smem:$0x3FB3]  }
0x2d: {  	s3 =	simm.s32 $0x108;
	s8 =	sld [smem:$0x3FB4]  }
0x2e: {  	s3 =	simm.s32 @!p0 $0x1082;
	s9 =	sld [smem:$0x3FB5]  }
0x2f: {  	lr =	sadd.s32 s0, s3;
	s0 =	sld [smem:$0x3FAC]  }
0x30: {  	s3 =	sld [smem:$0x3FAF]  }
0x31: {  	[smem:$0x3FB8] =	sst s10  }
0x32: {  	s10 =	sld [smem:$0x3FB6];
	_ =	sdelay $0x3  }
0x33: {  	p0 =	seq.s32 s10, $0x1;
	s10 =	sld [smem:$0x3FB8];
	_ =	sdelay $0x3  }
0x34: {  	[smem:$0x3FB8] =	sst s10  }
0x35: {  	s10 =	sld [smem:$0x3FB7];
	_ =	sdelay $0x3  }
0x36: {  	p1 =	seq.s32 s10, $0x1;
	s10 =	sld [smem:$0x3FB8];
	_ =	sdelay $0x3  }
0x37: {  	[smem:$0x3FB8] =	sst s10  }
0x38: {  	s10 =	sld [smem:$0x3FB9]  }
0x39: {  	_ = 	snop;
	(pc) =	sbr.ind lr, $3  }
0x3a: {  	_ = 	snop  }
0x3b: {  	_ = 	snop  }
0x3c: {  	p2 =	seq.s32 s10, $0x1;
	s10 =	sld [smem:$0x3FB8]  }
0x3d: {  	_ =	shalt  }
0x3e: {  	_ =	shalt  }
0x3f: {  	_ =	shalt  }
0x40: {  	_ =	shalt  }
0x41: {  	_ =	shalt  }
0x42: {  	_ =	shalt  }
0x43: {  	_ =	shalt  }
0x44: {  	_ =	shalt  }
0x45: {  	_ =	shalt  }
0x46: {  	_ =	shalt  }
0x47: {  	_ =	shalt  }
0x48: {  	_ =	shalt  }
0x49: {  	_ =	shalt  }
0x4a: {  	_ =	shalt  }
0x4b: {  	_ =	shalt  }
0x4c: {  	_ =	shalt  }
0x4d: {  	_ =	shalt  }
0x4e: {  	_ =	shalt  }
0x4f: {  	_ =	shalt  }
0x50: {  	_ =	shalt  }
0x51: {  	_ =	shalt  }
0x52: {  	_ =	shalt  }
0x53: {  	_ =	shalt  }
0x54: {  	_ =	shalt  }
0x55: {  	_ =	shalt  }
0x56: {  	_ =	shalt  }
0x57: {  	_ =	shalt  }
0x58: {  	_ =	shalt  }
0x59: {  	_ =	shalt  }
0x5a: {  	_ =	shalt  }
0x5b: {  	_ =	shalt  }
0x5c: {  	_ =	shalt  }
0x5d: {  	_ =	shalt  }
0x5e: {  	_ =	shalt  }
0x5f: {  	_ =	shalt  }
0x60: {  	_ =	shalt  }
0x61: {  	_ =	shalt  }
0x62: {  	_ =	shalt  }
0x63: {  	_ =	shalt  }
0x64: {  	_ =	shalt  }
0x65: {  	_ =	shalt  }
0x66: {  	_ =	shalt  }
0x67: {  	_ =	shalt  }
0x68: {  	_ =	shalt  }
0x69: {  	_ =	shalt  }
0x6a: {  	_ =	shalt  }
0x6b: {  	_ =	shalt  }
0x6c: {  	_ =	shalt  }
0x6d: {  	_ =	shalt  }
0x6e: {  	_ =	shalt  }
0x6f: {  	_ =	shalt  }
0x70: {  	_ =	shalt  }
0x71: {  	_ =	shalt  }
0x72: {  	_ =	shalt  }
0x73: {  	_ =	shalt  }
0x74: {  	_ =	shalt  }
0x75: {  	_ =	shalt  }
0x76: {  	_ =	shalt  }
0x77: {  	_ =	shalt  }
0x78: {  	_ =	shalt  }
0x79: {  	_ =	shalt  }
0x7a: {  	_ =	shalt  }
0x7b: {  	_ =	shalt  }
0x7c: {  	_ =	shalt  }
0x7d: {  	_ =	shalt  }
0x7e: {  	_ =	shalt  }
0x7f: {  	_ =	shalt  }
0x80: {  	_ =	shalt  }
0x81: {  	_ =	shalt  }
0x82: {  	_ =	shalt  }
0x83: {  	_ =	shalt  }
0x84: {  	_ =	shalt  }
0x85: {  	_ =	shalt  }
0x86: {  	_ =	shalt  }
0x87: {  	_ =	shalt  }
.Lfunc_end0:
.L_simem_size_0:
called_computation_lowered:
.L_overlay_start_0:
0x88: {  	s2 =	sld [smem:$0x3FD9]  }
0x89: {  	s3 =	sld [smem:$0x3FFE];
	_ =	sdelay $0x1  }
0x8a: {  	s1 =	srdreg.scid  }
0x8b: {  	s0 =	sand.u32 $0x1, s1  }
0x8c: {  	s16 =	sshll.u32 s0, $0xA;
	s2 =	sadd.s32 s3, s2  }
0x8d: {  	s2 =	sadd.s32 s2, s16  }
0x8e: {  	[smem:$0x3FC4] =	sst s2  }
0x8f: {  	_ = 	snop  }
0x90: {  	(tm) =	ssettm $0x1  }
0x91: {  	s17 =	sld [smem:$0x3FFB];
	_ =	sdelay $0x3  }
0x92: {  	_ =	strace s17  }
0x93: {  	s2 =	sld [smem:$0x3FFC];
	_ =	sdelay $0x3  }
0x94: {  	_ =	strace s2  }
0x95: {  	s2 =	sld [smem:$0x3FFD];
	_ =	sdelay $0x3  }
0x96: {  	_ =	strace s2  }
0x97: {  	_ =	strace $0x8FFFFFFF  }
0x98: {  	s18 =	sld [smem:$0x3FDB];
	_ =	sdelay $0x1  }
0x99: {  	s19 =	simm.s32 $_scs_section_size  }
0x9a: {  	s4 =	simm.s32 $_size__tile_overlayer_lowered;
	s5 =	simm.s32 $_tile_overlayer_lowered  }
0x9b: {  	s22 =	simm.s32 $0x1BFF;
	s21 =	sshll.u32 s5, $0x1;
	s2 =	sadd.s32 s19, s18  }
0x9c: {  	s6 =	simm.s32 $0x0;
	s20 =	sshll.u32 s4, $0x1;
	s4 =	sadd.s32 s21, s2  }
0x9d: {  	[timem:s6], [sflag:s22] =	dma.local [hbm:s4], s20  }
0x9e: {  	_ =	swait.ge [sflag:s22], s20  }
0x9f: {  	s3 =	ssub.s32 $0x0, s20;
	[sflag:s22] =	ssyncset.done $0x0  }
0xa0: {  	[sflag:s22] =	ssyncadd.s32 s3;
	_ =	sdelay $0x1  }
0xa1: {  	s23 =	simm.s32 $0x1B8B  }
0xa2: {  	_ =	swait.ge [sflag:s23], $0x1  }
0xa3: {  	[sflag:s23] =	ssyncset.done $0x0  }
0xa4: {  	s25 =	simm.s32 $0x1B8E;
	s24 =	sld [smem:$0x3FFE];
	[sflag:s23] =	ssyncadd.s32 $0xFFFFFFFF  }
0xa5: {  	s26 =	simm.s32 $execute0_lowered;
	[smem:$0x3FD2] =	sst s25  }
0xa6: {  	s4 =	sshll.u32 s26, $0x1;
	_ =	strace $0x80000046;
	[dreg:$0x1] =	wrdreg $0xFFFFFFFF  }
0xa7: {  	s28 =	simm.s32 $_size_execute0_lowered;
	s2 =	sadd.s32 s2, s4;
	[dreg:$0x0] =	wrdreg $0x0  }
0xa8: {  	s4 =	sshll.u32 s28, $0x1;
	[dreg:$0x2] =	wrdreg s2  }
0xa9: {  	[dreg:$0x3] =	wrdreg s4  }
0xaa: {  	[dreg:$0x4] =	wrdreg $0xC0  }
0xab: {  	_ =	task [dreg:s6], $0x5FFFF  }
0xac: {  	[dreg:$0x1] =	wrdreg $0xFFFFFFFF  }
0xad: {  	[dreg:$0x0] =	wrdreg $0x60  }
0xae: {  	[dreg:$0x2] =	wrdreg s24  }
0xaf: {  	[dreg:$0x3] =	wrdreg $0x7A800  }
0xb0: {  	[dreg:$0x4] =	wrdreg $0x9  }
0xb1: {  	_ =	task.clear_ibuf [dreg:s6], $0x5FFFF;
	_ =	strace $0x90000046  }
0xb2: {  	s29 =	simm.s32 $0x9;
	_ =	strace $0x80000048  }
0xb3: {  	_ =	swait.ge [sflag:s29], $0x1  }
0xb4: {  	[sflag:s29] =	ssyncadd.s32 $0xFFFFFFFF  }
0xb5: {  	_ =	strace $0x90000048  }
0xb6: {  	_ =	sfence  }
0xb7: {  	s30 =	sld [smem:$0x0];
	_ =	sdelay $0x2  }
0xb8: {  	s31 =	sshll.u32 s1, $0xD;
	s1 =	sshrl.u32 s1, $0x2  }
0xb9: {  	s3 =	sand.u32 $0x4000, s31;
	s1 =	sadd.s32 s1, s30  }
0xba: {  	s0 =	sor.u32 s3, s0;
	s1 =	sshll.u32 s1, $0x11  }
0xbb: {  	s0 =	sor.u32 s1, s0  }
0xbc: {  	s0 =	sadd.s32 $0x8F2B, s0  }
0xbd: {  	[sflag:s0] =	ssyncadd.remote.s32 $0x1  }
0xbe: {  	_ =	sfence.sel $0xFFFF  }
0xbf: {  	[dreg:$0x0] =	wrdreg $0xFFFFFFFF;
	(pc) =	sbr.abs _section_cstart, $3  }
0xc0: {  	[dreg:$0x1] =	wrdreg $0xFFFFFFFF  }
0xc1: {  	_ =	task.clear_ibuf [dreg:s6], $0x2FFFF;
	_ =	strace $0x9FFFFFFF  }
0xc2: {  	(tm) =	ssettm $0x7FFFFFFF  }
0xc3: {  	_ =	shalt  }
tec
execute0_lowered:
.L_overlay_start_1:
0x0: {  	(tag) =	ssettag $0x1  }
0x1: {  	s1 =	srdreg.scid;
	s4 =	rddreg [dreg:$0x0]  }
0x2: {  	s0 =	stileid.u32;
	s6 =	rddreg [dreg:$0x1];
	s2 =	simm.s32 $0x0  }
0x3: {  	s12 =	simm.s32 $0x400;
	s13 =	simm.s32 $0x1400;
	s14 =	simm.s32 $0x14000  }
0x4: {  	s15 =	simm.s32 $0x5000;
	s16 =	simm.s32 $0x7800;
	s17 =	simm.s32 $0x0  }
0x5: {  	s3 =	sand.u32 $0x1, s1;
	s28 =	sshll.u32 s0, $0x1;
	s7 =	smul.u32 $0x280, s0  }
0x6: {  	[smem:$0x7FF] =	sst s2;
	s29 =	sshrl.u32 s0, $0x3;
	s11 =	smul.u32 $0x5000, s0  }
0x7: {  	s10 =	sshll.u32 s0, $0x7;
	s1 =	sor.u32 s3, s28;
	s8 =	smul.u32 $0x2800, s3  }
0x8: {  	s9 =	ssub.s32 $0x2, s3;
	s3 =	sadd.s32 $0xB400, s4;
	s10 =	sand.u32 $0x380, s10  }
0x9: {  	s5 =	smul.u32 $0x500, s1;
	s1 =	rddreg [dreg:$0x2];
	_ =	strace $0x80000047  }
0xa: {  	s30 =	sshrl.u32 s9, $0x1;
	s7 =	sadd.s32 s7, s8;
	s8 =	smul.u32 $0x50000, s29  }
0xb: {  	s31 =	sshrl.u32 s11, $0x2;
	s11 =	simm.s32 $0x80;
	s9 =	ssub.s32 s9, s30  }
0xc: {  	s5 =	sadd.s32 s5, s4;
	s7 =	sshrl.u32 s7, $0x3;
	s8 =	sshrl.u32 s8, $0x2  }
0xd: {  	s7 =	sadd.s32 s7, s4;
	s4 =	sadd.s32 $0x1400, s5;
	s8 =	sadd.s32 s8, s6  }
0xe: {  	s6 =	sadd.s32 s31, s6;
	s7 =	sadd.s32 $0xBA00, s7;
	s5 =	sadd.s32 s10, s8  }
0xf: {  	s8 =	smax.u32 s9, $0x1;
	s9 =	simm.s32 $0x1;
	s10 =	simm.s32 $0x2800  }
.LBB2_1:
0x10: {  	[tilespmem:s2], [sflag:$0x1] =	stream.linear.gather [hbm4b:s4+s2], $0x2800, $0x38;
	[tilespmem:$0xA280] =	vst v63  }
0x11: {  	_ =	swait.ge [sflag:s9], $0x2800  }
0x12: {  	[sflag:s9] =	ssyncset.done $0x0  }
0x13: {  	[sflag:s9] =	ssyncadd.s32 $0xFFFFD800  }
0x14: {  	[tilespmem:s10], [sflag:$0x1] =	stream.linear.gather [hbm4b:s3+s2], $0x2800, $0x38;
	[tilespmem:$0xA280] =	vst v63  }
0x15: {  	_ =	swait.ge [sflag:s9], $0x2800  }
0x16: {  	[sflag:s9] =	ssyncset.done $0x0  }
0x17: {  	s18 =	simm.s32 $0x0;
	[sflag:s9] =	ssyncadd.s32 $0xFFFFD800  }
.LBB2_2:
0x18: {  	s19 =	sshra.s32 s18, $0x2  }
0x19: {  	v0 =	vld [tilespmem:s19+$0x0];
	_ =	sdelay $0x4  }
0x1a: {  	(xrf1) =	vunique.msk.u32 $0xffff, v0;
	_ =	sdelay $0xd  }
0x1b: {  	_, v1, vm0 =	vpop (xrf1);
	_ =	sdelay $0x3  }
0x1c: {  	v1 =	vcvt.s32.f32 v1;
	_ =	sdelay $0x1  }
0x1d: {  	[tilespmem:v0+s10+$0x0] =	vst.idx.add.f32.msk vm0, v1  }
0x1e: {  	v0 =	vld [tilespmem:s19+$0x10];
	_ =	sdelay $0x4  }
0x1f: {  	(xrf1) =	vunique.msk.u32 $0xffff, v0;
	_ =	sdelay $0xd  }
0x20: {  	_, v1, vm0 =	vpop (xrf1);
	_ =	sdelay $0x3  }
0x21: {  	v1 =	vcvt.s32.f32 v1;
	_ =	sdelay $0x1  }
0x22: {  	[tilespmem:v0+s10+$0x0] =	vst.idx.add.f32.msk vm0, v1  }
0x23: {  	v0 =	vld [tilespmem:s19+$0x20];
	_ =	sdelay $0x4  }
0x24: {  	(xrf1) =	vunique.msk.u32 $0xffff, v0;
	_ =	sdelay $0xd  }
0x25: {  	_, v1, vm0 =	vpop (xrf1);
	_ =	sdelay $0x3  }
0x26: {  	v1 =	vcvt.s32.f32 v1;
	_ =	sdelay $0x1  }
0x27: {  	[tilespmem:v0+s10+$0x0] =	vst.idx.add.f32.msk vm0, v1  }
0x28: {  	v0 =	vld [tilespmem:s19+$0x30];
	_ =	sdelay $0x4  }
0x29: {  	(xrf1) =	vunique.msk.u32 $0xffff, v0;
	_ =	sdelay $0xd  }
0x2a: {  	_, v1, vm0 =	vpop (xrf1);
	_ =	sdelay $0x3  }
0x2b: {  	v1 =	vcvt.s32.f32 v1;
	_ =	sdelay $0x1  }
0x2c: {  	[tilespmem:v0+s10+$0x0] =	vst.idx.add.f32.msk vm0, v1  }
0x2d: {  	v0 =	vld [tilespmem:s19+$0x40];
	_ =	sdelay $0x4  }
0x2e: {  	(xrf1) =	vunique.msk.u32 $0xffff, v0;
	_ =	sdelay $0xd  }
0x2f: {  	_, v1, vm0 =	vpop (xrf1);
	_ =	sdelay $0x3  }
0x30: {  	v1 =	vcvt.s32.f32 v1;
	_ =	sdelay $0x1  }
0x31: {  	[tilespmem:v0+s10+$0x0] =	vst.idx.add.f32.msk vm0, v1  }
0x32: {  	v0 =	vld [tilespmem:s19+$0x50];
	_ =	sdelay $0x4  }
0x33: {  	(xrf1) =	vunique.msk.u32 $0xffff, v0;
	_ =	sdelay $0xd  }
0x34: {  	_, v1, vm0 =	vpop (xrf1);
	_ =	sdelay $0x3  }
0x35: {  	v1 =	vcvt.s32.f32 v1;
	_ =	sdelay $0x1  }
0x36: {  	[tilespmem:v0+s10+$0x0] =	vst.idx.add.f32.msk vm0, v1  }
0x37: {  	v0 =	vld [tilespmem:s19+$0x60];
	_ =	sdelay $0x4  }
0x38: {  	(xrf1) =	vunique.msk.u32 $0xffff, v0;
	_ =	sdelay $0xd  }
0x39: {  	_, v1, vm0 =	vpop (xrf1);
	_ =	sdelay $0x3  }
0x3a: {  	v1 =	vcvt.s32.f32 v1;
	_ =	sdelay $0x1  }
0x3b: {  	[tilespmem:v0+s10+$0x0] =	vst.idx.add.f32.msk vm0, v1  }
0x3c: {  	v0 =	vld [tilespmem:s19+$0x70];
	_ =	sdelay $0x4  }
0x3d: {  	(xrf1) =	vunique.msk.u32 $0xffff, v0;
	_ =	sdelay $0xd  }
0x3e: {  	_, v1, vm0 =	vpop (xrf1)  }
0x3f: {  	p0 =	sne.s32 s18, $0x9E00  }
.Ltmp0:
0x40: {  	_ = 	snop;
	(pc) =	sbr.rel @p0 .LBB2_2-.Ltmp0, $3  }
0x41: {  	_ = 	snop  }
0x42: {  	v1 =	vcvt.s32.f32 v1;
	_ =	sdelay $0x1  }
0x43: {  	s18 =	sadd.s32 $0x200, s18;
	[tilespmem:v0+s10+$0x0] =	vst.idx.add.f32.msk vm0, v1  }
0x44: {  	[spmem:s5] =	stream.strided.scatter [tilespmem:s10], [sflag:$0x1], $0x2800, s12, s11, $0x38;
	[tilespmem:$0xA280] =	vst v63  }
0x45: {  	_ =	swait.ge [sflag:s9], $0x2800  }
0x46: {  	[sflag:s9] =	ssyncset.done $0x0  }
0x47: {  	[sflag:s9] =	ssyncadd.s32 $0xFFFFD800  }
0x48: {  	[bflag:$0x0] =	sbarrier.arrive $0xFFFF  }
0x49: {  	[tilespmem:s15], [sflag:$0x1] =	stream.strided.gather [spmem:s6], $0x2800, s14, s13, $0x38;
	[tilespmem:$0xA280] =	vst v63  }
0x4a: {  	s18 =	simm.s32 $0x0;
	_ =	swait.ge [sflag:s9], $0x2800  }
0x4b: {  	s19 =	sand.u32 $0x70, s18;
	s18 =	sand.u32 $0x1C00, s18;
	[sflag:s9] =	ssyncset.done $0x0  }
0x4c: {  	s18 =	sor.u32 s19, s18;
	[sflag:s9] =	ssyncadd.s32 $0xFFFFD800  }
0x4d: {  	v0 =	vld [tilespmem:s18+$0x5080]  }
0x4e: {  	v1 =	vld [tilespmem:s18+$0x5000];
	_ =	sdelay $0x1  }
0x4f: {  	v2 =	vld [tilespmem:s18+$0x5100];
	_ =	sdelay $0x1  }
0x50: {  	v3 =	vld [tilespmem:s18+$0x5180]  }
0x51: {  	v0 =	vadd.f32 v0, v1  }
0x52: {  	v52 =	vld [tilespmem:s18+$0x5200]  }
0x53: {  	v0 =	vadd.f32 v2, v0  }
0x54: {  	v53 =	vld [tilespmem:s18+$0x5280]  }
0x55: {  	v0 =	vadd.f32 v3, v0  }
0x56: {  	v54 =	vld [tilespmem:s18+$0x5300]  }
0x57: {  	v0 =	vadd.f32 v52, v0  }
0x58: {  	v55 =	vld [tilespmem:s18+$0x5380]  }
0x59: {  	v0 =	vadd.f32 v53, v0  }
0x5a: {  	v56 =	vld [tilespmem:s18+$0x6400]  }
0x5b: {  	v0 =	vadd.f32 v54, v0  }
0x5c: {  	v57 =	vld [tilespmem:s18+$0x6480]  }
0x5d: {  	v0 =	vadd.f32 v55, v0  }
0x5e: {  	v58 =	vld [tilespmem:s18+$0x6500]  }
0x5f: {  	v0 =	vadd.f32 v56, v0  }
0x60: {  	v59 =	vld [tilespmem:s18+$0x6580]  }
0x61: {  	v0 =	vadd.f32 v57, v0  }
0x62: {  	v60 =	vld [tilespmem:s18+$0x6600]  }
0x63: {  	v0 =	vadd.f32 v58, v0  }
0x64: {  	v61 =	vld [tilespmem:s18+$0x6680]  }
0x65: {  	v0 =	vadd.f32 v59, v0  }
0x66: {  	v62 =	vld [tilespmem:s18+$0x6700]  }
0x67: {  	v0 =	vadd.f32 v60, v0  }
0x68: {  	v63 =	vld [tilespmem:s18+$0x6780]  }
0x69: {  	v0 =	vadd.f32 v61, v0;
	_ =	sdelay $0x1  }
0x6a: {  	v0 =	vadd.f32 v62, v0;
	_ =	sdelay $0x1  }
0x6b: {  	s31 =	simm.s32 $0x10;
	s20 =	simm.s32 $0x80;
	v0 =	vadd.f32 v63, v0  }
0x6c: {  	s21 =	sand.u32 $0x1C00, s20;
	s19 =	sand.u32 $0x70, s31;
	s18 =	simm.s32 $0x7800  }
0x6d: {  	s19 =	sor.u32 s19, s21;
	s21 =	simm.s32 $0x20;
	[tilespmem:s18+$0x0] =	vst v0  }
.LBB2_4:
0x6e: {  	p0 =	sne.s32 s21, $0x270;
	v0 =	vld [tilespmem:s19+$0x5080]  }
0x6f: {  	v1 =	vld [tilespmem:s19+$0x5000];
	_ =	sdelay $0x1  }
0x70: {  	v2 =	vld [tilespmem:s19+$0x5100];
	_ =	sdelay $0x1  }
0x71: {  	v3 =	vld [tilespmem:s19+$0x5180]  }
0x72: {  	v0 =	vadd.f32 v0, v1  }
0x73: {  	v1 =	vld [tilespmem:s19+$0x5200]  }
0x74: {  	v0 =	vadd.f32 v2, v0  }
0x75: {  	v2 =	vld [tilespmem:s19+$0x5280]  }
0x76: {  	v0 =	vadd.f32 v3, v0  }
0x77: {  	v3 =	vld [tilespmem:s19+$0x5300]  }
0x78: {  	v0 =	vadd.f32 v1, v0  }
0x79: {  	v1 =	vld [tilespmem:s19+$0x5380]  }
0x7a: {  	v0 =	vadd.f32 v2, v0  }
0x7b: {  	v2 =	vld [tilespmem:s19+$0x6400]  }
0x7c: {  	v0 =	vadd.f32 v3, v0  }
0x7d: {  	v3 =	vld [tilespmem:s19+$0x6480]  }
0x7e: {  	v0 =	vadd.f32 v1, v0  }
0x7f: {  	v1 =	vld [tilespmem:s19+$0x6500]  }
0x80: {  	v0 =	vadd.f32 v2, v0  }
0x81: {  	v2 =	vld [tilespmem:s19+$0x6580]  }
0x82: {  	v0 =	vadd.f32 v3, v0  }
0x83: {  	v3 =	vld [tilespmem:s19+$0x6600]  }
0x84: {  	v0 =	vadd.f32 v1, v0  }
0x85: {  	v1 =	vld [tilespmem:s19+$0x6680]  }
0x86: {  	v0 =	vadd.f32 v2, v0  }
0x87: {  	v2 =	vld [tilespmem:s19+$0x6700]  }
0x88: {  	v0 =	vadd.f32 v3, v0  }
0x89: {  	v3 =	vld [tilespmem:s19+$0x6780]  }
0x8a: {  	v0 =	vadd.f32 v1, v0;
	_ =	sdelay $0x1  }
.Ltmp1:
0x8b: {  	v0 =	vadd.f32 v2, v0;
	(pc) =	sbr.rel @p0 .LBB2_4-.Ltmp1, $4  }
0x8c: {  	_ = 	snop  }
0x8d: {  	s20 =	sadd.s32 $0x80, s20;
	v0 =	vadd.f32 v3, v0  }
0x8e: {  	s18 =	sadd.s32 $0x10, s18;
	s22 =	sand.u32 $0x1C00, s20;
	s19 =	sand.u32 $0x70, s21  }
0x8f: {  	s21 =	sadd.s32 $0x10, s21;
	s19 =	sor.u32 s19, s22;
	[tilespmem:s18+$0x0] =	vst v0  }
0x90: {  	v0 =	vld [tilespmem:s19+$0x5080]  }
0x91: {  	v1 =	vld [tilespmem:s19+$0x5000];
	_ =	sdelay $0x1  }
0x92: {  	v2 =	vld [tilespmem:s19+$0x5100];
	_ =	sdelay $0x1  }
0x93: {  	v3 =	vld [tilespmem:s19+$0x5180]  }
0x94: {  	v0 =	vadd.f32 v0, v1  }
0x95: {  	v52 =	vld [tilespmem:s19+$0x5200]  }
0x96: {  	v0 =	vadd.f32 v2, v0  }
0x97: {  	v53 =	vld [tilespmem:s19+$0x5280]  }
0x98: {  	v0 =	vadd.f32 v3, v0  }
0x99: {  	v54 =	vld [tilespmem:s19+$0x5300]  }
0x9a: {  	v0 =	vadd.f32 v52, v0  }
0x9b: {  	v55 =	vld [tilespmem:s19+$0x5380]  }
0x9c: {  	v0 =	vadd.f32 v53, v0  }
0x9d: {  	v56 =	vld [tilespmem:s19+$0x6400]  }
0x9e: {  	v0 =	vadd.f32 v54, v0  }
0x9f: {  	v57 =	vld [tilespmem:s19+$0x6480]  }
0xa0: {  	v0 =	vadd.f32 v55, v0  }
0xa1: {  	v58 =	vld [tilespmem:s19+$0x6500]  }
0xa2: {  	v0 =	vadd.f32 v56, v0  }
0xa3: {  	v59 =	vld [tilespmem:s19+$0x6580]  }
0xa4: {  	v0 =	vadd.f32 v57, v0  }
0xa5: {  	v60 =	vld [tilespmem:s19+$0x6600]  }
0xa6: {  	v0 =	vadd.f32 v58, v0  }
0xa7: {  	v61 =	vld [tilespmem:s19+$0x6680]  }
0xa8: {  	v0 =	vadd.f32 v59, v0  }
0xa9: {  	v62 =	vld [tilespmem:s19+$0x6700]  }
0xaa: {  	v0 =	vadd.f32 v60, v0  }
0xab: {  	v63 =	vld [tilespmem:s19+$0x6780]  }
0xac: {  	v0 =	vadd.f32 v61, v0;
	_ =	sdelay $0x1  }
0xad: {  	v0 =	vadd.f32 v62, v0;
	_ =	sdelay $0x1  }
0xae: {  	s17 =	sadd.s32 $0x1, s17;
	v0 =	vadd.f32 v63, v0  }
0xaf: {  	s18 =	sadd.s32 $0x10, s18;
	p0 =	sne.s32 s17, s8  }
.Ltmp2:
0xb0: {  	[tilespmem:s18+$0x0] =	vst v0;
	(pc) =	sbr.rel @p0 .LBB2_1-.Ltmp2, $4  }
0xb1: {  	[hbm4b:s7+s2] =	stream.linear.scatter [tilespmem:s16], [sflag:$0x1], $0x280, $0x38;
	[tilespmem:$0xA280] =	vst v63  }
0xb2: {  	_ =	swait.ge [sflag:s9], $0x280  }
0xb3: {  	[sflag:s9] =	ssyncset.done $0x0  }
0xb4: {  	[sflag:s9] =	ssyncadd.s32 $0xFFFFFD80  }
0xb5: {  	_ =	sfence.sel $0x180000  }
0xb6: {  	[bflag:$0x0] =	sbarrier.arrive $0xFFFF  }
0xb7: {  	p0 =	sne.s32 s0, $0x0;
	_ =	strace $0x90000047  }
0xb8: {  	s0 =	sadd.s32 @!p0 $0x100000, s1;
	[bflag:$0x2] =	sbarrier.arrive $0xFFFF  }
0xb9: {  	[sflag:s0] =	ssyncadd.tile.s32 @!p0 $0x1;
	_ =	shalt  }
.Lfunc_end2:
_tile_overlayer_lowered:
.L_overlay_start_2:
0xba: {  	(tag) =	ssettag $0x2  }
0xbb: {  	s0 =	rddreg [dreg:$0x0];
	s2 =	stileid.u32  }
0xbc: {  	s1 =	rddreg [dreg:$0x1];
	p0 =	sne.s32 s2, $0x0  }
0xbd: {  	s3 =	rddreg [dreg:$0x2];
	[bflag:$0x3] =	sbarrier.arrive $0xFFFF;
	s2 =	simm.s32 @!p0 $0x1C01  }
0xbe: {  	[timem:s3], [sflag:s2] =	dma.local @!p0 [hbm:s0], s1  }
0xbf: {  	s0 =	simm.s32 @!p0 $0x1  }
0xc0: {  	_ =	swait.ge @!p0 [sflag:s0], s1  }
0xc1: {  	s1 =	ssub.s32 @!p0 $0x0, s1;
	[sflag:s0] =	ssyncset.done @!p0 $0x0  }
0xc2: {  	[sflag:s0] =	ssyncadd.s32 @!p0 s1  }
0xc3: {  	[bflag:$0x3] =	sbarrier.arrive $0xFFFF  }
0xc4: {  	_ =	shalt  }

// kernel: kernel.9.cloned.1.call-start
scs
__scs_entry_jumppad:
0x0: {  	(pc) =	sbr.rel $0x88, $3  }
0x1: {  	(tag) =	ssettag $0x0;
	lr =	simm.s32 $0x1  }
0x2: {  	[smem:$0x3F9D] =	sst lr;
	_ =	strace $0xD0000000  }
0x3: {  	_ = 	snop  }
0x4: {  	_ = 	snop  }
0x5: {  	_ = 	snop  }
0x6: {  	_ = 	snop  }
0x7: {  	_ = 	snop  }
__scs_overlays_trampoline_lowered:
0x8: {  	[smem:$0x3FAC] =	sst s0  }
0x9: {  	[smem:$0x3FAD] =	sst s1  }
0xa: {  	[smem:$0x3FAE] =	sst s2  }
0xb: {  	[smem:$0x3FAF] =	sst s3  }
0xc: {  	[smem:$0x3FB0] =	sst s4  }
0xd: {  	[smem:$0x3FB1] =	sst s5  }
0xe: {  	[smem:$0x3FB2] =	sst s6  }
0xf: {  	[smem:$0x3FB3] =	sst s7  }
0x10: {  	[smem:$0x3FB4] =	sst s8  }
0x11: {  	[smem:$0x3FB5] =	sst s9;
	s0 =	simm.s32 @!p0 $0x0  }
0x12: {  	s1 =	sld [smem:$0x3F9B];
	s0 =	simm.s32 @p0 $0x1  }
0x13: {  	[smem:$0x3FB6] =	sst s0;
	s0 =	simm.s32 @!p1 $0x0  }
0x14: {  	s2 =	sld [smem:$0x3F9A];
	s0 =	simm.s32 @p1 $0x1  }
0x15: {  	[smem:$0x3FB7] =	sst s0;
	s0 =	simm.s32 @!p2 $0x0  }
0x16: {  	s3 =	sld [smem:$0x3FDB];
	s0 =	simm.s32 @p2 $0x1  }
0x17: {  	s4 =	simm.s32 $0x1BF5;
	[smem:$0x3FB9] =	sst s0  }
0x18: {  	s0 =	sld [smem:$0x3F9C];
	_ =	swait.ge [sflag:s4], $0x0  }
0x19: {  	s7 =	sld [smem:$0x3F9D]  }
0x1a: {  	s8 =	sadd.s32 $0xFFFFE003, lr  }
0x1b: {  	s9 =	sadd.s32 $0xFFFFFEF7, lr;
	s5 =	simm.s32 $0xFFFFFFFF;
	p2 =	slt.u32 s8, $0xFFFFF086  }
0x1c: {  	p1 =	slt.u32 s9, $0xF7A;
	s5 =	simm.s32 @!p2 $0x0  }
0x1d: {  	s5 =	simm.s32 @p1 $0x1;
	p0 =	seq.s32 s7, s2  }
0x1e: {  	s7 =	smul.u32 @!p0 $0xF7A, s2;
	p2 =	seq.s32 @!p0 s5, $0x0  }
0x1f: {  	s9 =	smul.u32 $0xF7A, s1;
	s8 =	simm.s32 @!p0 $0x1BF5;
	p2 =	por !p2, p0  }
0x20: {  	[sflag:s8] =	ssyncset.s32 @!p0 $0xFFFFF086;
	s6 =	sadd.s32 @!p0 s3, s7;
	s7 =	simm.s32 @!p0 $0x108  }
0x21: {  	s3 =	sadd.s32 s3, s9;
	s6 =	sadd.s32 @!p0 $0x88, s6;
	s7 =	simm.s32 @p2 $0x1082  }
0x22: {  	[simem:s7], [sflag:s8] =	dma.local @!p0 [hbm:s6], $0xF7A  }
0x23: {  	s9 =	sor.u32 $0xD0000000, s2;
	s6 =	simm.s32 $0x108;
	_ =	swait.ge @!p0 [sflag:s8], $0x0  }
0x24: {  	s3 =	sadd.s32 $0x88, s3;
	s6 =	simm.s32 @!p1 $0x1082;
	[sflag:s4] =	ssyncset.s32 $0xFFFFF086  }
0x25: {  	[simem:s6], [sflag:s4] =	dma.local [hbm:s3], $0xF7A  }
0x26: {  	[smem:$0x3F9D] =	sst s1;
	(tag) =	ssettag s2;
	_ =	strace s9  }
0x27: {  	s1 =	sld [smem:$0x3FAD]  }
0x28: {  	s2 =	sld [smem:$0x3FAE]  }
0x29: {  	s4 =	sld [smem:$0x3FB0]  }
0x2a: {  	p0 =	seq.s32 s5, $0x0;
	s5 =	sld [smem:$0x3FB1]  }
0x2b: {  	s6 =	sld [smem:$0x3FB2]  }
0x2c: {  	s7 =	sld [smem:$0x3FB3]  }
0x2d: {  	s3 =	simm.s32 $0x108;
	s8 =	sld [smem:$0x3FB4]  }
0x2e: {  	s3 =	simm.s32 @!p0 $0x1082;
	s9 =	sld [smem:$0x3FB5]  }
0x2f: {  	lr =	sadd.s32 s0, s3;
	s0 =	sld [smem:$0x3FAC]  }
0x30: {  	s3 =	sld [smem:$0x3FAF]  }
0x31: {  	[smem:$0x3FB8] =	sst s10  }
0x32: {  	s10 =	sld [smem:$0x3FB6];
	_ =	sdelay $0x3  }
0x33: {  	p0 =	seq.s32 s10, $0x1;
	s10 =	sld [smem:$0x3FB8];
	_ =	sdelay $0x3  }
0x34: {  	[smem:$0x3FB8] =	sst s10  }
0x35: {  	s10 =	sld [smem:$0x3FB7];
	_ =	sdelay $0x3  }
0x36: {  	p1 =	seq.s32 s10, $0x1;
	s10 =	sld [smem:$0x3FB8];
	_ =	sdelay $0x3  }
0x37: {  	[smem:$0x3FB8] =	sst s10  }
0x38: {  	s10 =	sld [smem:$0x3FB9]  }
0x39: {  	_ = 	snop;
	(pc) =	sbr.ind lr, $3  }
0x3a: {  	_ = 	snop  }
0x3b: {  	_ = 	snop  }
0x3c: {  	p2 =	seq.s32 s10, $0x1;
	s10 =	sld [smem:$0x3FB8]  }
0x3d: {  	_ =	shalt  }
0x3e: {  	_ =	shalt  }
0x3f: {  	_ =	shalt  }
0x40: {  	_ =	shalt  }
0x41: {  	_ =	shalt  }
0x42: {  	_ =	shalt  }
0x43: {  	_ =	shalt  }
0x44: {  	_ =	shalt  }
0x45: {  	_ =	shalt  }
0x46: {  	_ =	shalt  }
0x47: {  	_ =	shalt  }
0x48: {  	_ =	shalt  }
0x49: {  	_ =	shalt  }
0x4a: {  	_ =	shalt  }
0x4b: {  	_ =	shalt  }
0x4c: {  	_ =	shalt  }
0x4d: {  	_ =	shalt  }
0x4e: {  	_ =	shalt  }
0x4f: {  	_ =	shalt  }
0x50: {  	_ =	shalt  }
0x51: {  	_ =	shalt  }
0x52: {  	_ =	shalt  }
0x53: {  	_ =	shalt  }
0x54: {  	_ =	shalt  }
0x55: {  	_ =	shalt  }
0x56: {  	_ =	shalt  }
0x57: {  	_ =	shalt  }
0x58: {  	_ =	shalt  }
0x59: {  	_ =	shalt  }
0x5a: {  	_ =	shalt  }
0x5b: {  	_ =	shalt  }
0x5c: {  	_ =	shalt  }
0x5d: {  	_ =	shalt  }
0x5e: {  	_ =	shalt  }
0x5f: {  	_ =	shalt  }
0x60: {  	_ =	shalt  }
0x61: {  	_ =	shalt  }
0x62: {  	_ =	shalt  }
0x63: {  	_ =	shalt  }
0x64: {  	_ =	shalt  }
0x65: {  	_ =	shalt  }
0x66: {  	_ =	shalt  }
0x67: {  	_ =	shalt  }
0x68: {  	_ =	shalt  }
0x69: {  	_ =	shalt  }
0x6a: {  	_ =	shalt  }
0x6b: {  	_ =	shalt  }
0x6c: {  	_ =	shalt  }
0x6d: {  	_ =	shalt  }
0x6e: {  	_ =	shalt  }
0x6f: {  	_ =	shalt  }
0x70: {  	_ =	shalt  }
0x71: {  	_ =	shalt  }
0x72: {  	_ =	shalt  }
0x73: {  	_ =	shalt  }
0x74: {  	_ =	shalt  }
0x75: {  	_ =	shalt  }
0x76: {  	_ =	shalt  }
0x77: {  	_ =	shalt  }
0x78: {  	_ =	shalt  }
0x79: {  	_ =	shalt  }
0x7a: {  	_ =	shalt  }
0x7b: {  	_ =	shalt  }
0x7c: {  	_ =	shalt  }
0x7d: {  	_ =	shalt  }
0x7e: {  	_ =	shalt  }
0x7f: {  	_ =	shalt  }
0x80: {  	_ =	shalt  }
0x81: {  	_ =	shalt  }
0x82: {  	_ =	shalt  }
0x83: {  	_ =	shalt  }
0x84: {  	_ =	shalt  }
0x85: {  	_ =	shalt  }
0x86: {  	_ =	shalt  }
0x87: {  	_ =	shalt  }
.Lfunc_end0:
.L_simem_size_0:
called_computation.1_lowered:
.L_overlay_start_0:
0x88: {  	s2 =	sld [smem:$0x3FD9]  }
0x89: {  	s3 =	sld [smem:$0x3FFE];
	_ =	sdelay $0x1  }
0x8a: {  	s1 =	srdreg.scid  }
0x8b: {  	s0 =	sand.u32 $0x1, s1  }
0x8c: {  	s17 =	sshll.u32 s0, $0xA;
	s2 =	sadd.s32 s3, s2  }
0x8d: {  	s2 =	sadd.s32 s2, s17  }
0x8e: {  	[smem:$0x3FC4] =	sst s2  }
0x8f: {  	_ = 	snop  }
0x90: {  	s2 =	sld [smem:$0x3FD0];
	(tm) =	ssettm $0x1  }
0x91: {  	s18 =	sld [smem:$0x3FFB];
	_ =	sdelay $0x3  }
0x92: {  	_ =	strace s18  }
0x93: {  	s3 =	sld [smem:$0x3FFC];
	_ =	sdelay $0x3  }
0x94: {  	_ =	strace s3  }
0x95: {  	s3 =	sld [smem:$0x3FFD];
	_ =	sdelay $0x3  }
0x96: {  	_ =	strace s3  }
0x97: {  	_ =	strace $0x8FFFFFFF  }
0x98: {  	s19 =	sld [smem:$0x3FDB];
	_ =	sdelay $0x1  }
0x99: {  	s4 =	simm.s32 $_scs_section_size  }
0x9a: {  	s5 =	simm.s32 $_size__tile_overlayer_lowered;
	s6 =	simm.s32 $_tile_overlayer_lowered  }
0x9b: {  	s22 =	simm.s32 $0x1BFF;
	s21 =	sshll.u32 s6, $0x1;
	s3 =	sadd.s32 s4, s19  }
0x9c: {  	s7 =	simm.s32 $0x0;
	s20 =	sshll.u32 s5, $0x1;
	s5 =	sadd.s32 s21, s3  }
0x9d: {  	[timem:s7], [sflag:s22] =	dma.local [hbm:s5], s20  }
0x9e: {  	_ =	swait.ge [sflag:s22], s20  }
0x9f: {  	s4 =	ssub.s32 $0x0, s20;
	[sflag:s22] =	ssyncset.done $0x0  }
0xa0: {  	[sflag:s22] =	ssyncadd.s32 s4;
	_ =	sdelay $0x1  }
0xa1: {  	s23 =	simm.s32 $0x1B8B  }
0xa2: {  	_ =	swait.ge [sflag:s23], $0x1  }
0xa3: {  	[sflag:s23] =	ssyncset.done $0x0  }
0xa4: {  	s25 =	simm.s32 $0x1B8E;
	s24 =	sld [smem:$0x3FFE];
	[sflag:s23] =	ssyncadd.s32 $0xFFFFFFFF  }
0xa5: {  	s26 =	simm.s32 $execute0_lowered;
	[smem:$0x3FD2] =	sst s25  }
0xa6: {  	s5 =	sshll.u32 s26, $0x1;
	_ =	strace $0x80000049;
	[dreg:$0x1] =	wrdreg $0xFFFFFFFF  }
0xa7: {  	s28 =	simm.s32 $_size_execute0_lowered;
	s3 =	sadd.s32 s3, s5;
	[dreg:$0x0] =	wrdreg $0x0  }
0xa8: {  	s5 =	sshll.u32 s28, $0x1;
	[dreg:$0x2] =	wrdreg s3  }
0xa9: {  	[dreg:$0x3] =	wrdreg s5  }
0xaa: {  	[dreg:$0x4] =	wrdreg $0xC0  }
0xab: {  	_ =	task [dreg:s7], $0x5FFFF  }
0xac: {  	[dreg:$0x1] =	wrdreg $0xFFFFFFFF  }
0xad: {  	[dreg:$0x0] =	wrdreg $0x60  }
0xae: {  	[dreg:$0x2] =	wrdreg s24  }
0xaf: {  	[dreg:$0x3] =	wrdreg s2  }
0xb0: {  	[dreg:$0x4] =	wrdreg $0x82000  }
0xb1: {  	[dreg:$0x5] =	wrdreg $0x9  }
0xb2: {  	_ =	task.clear_ibuf [dreg:s7], $0x6FFFF;
	_ =	strace $0x90000049  }
0xb3: {  	s29 =	simm.s32 $0x9;
	_ =	strace $0x8000004B  }
0xb4: {  	_ =	swait.ge [sflag:s29], $0x1  }
0xb5: {  	[sflag:s29] =	ssyncadd.s32 $0xFFFFFFFF  }
0xb6: {  	_ =	strace $0x9000004B  }
0xb7: {  	_ =	sfence  }
0xb8: {  	s30 =	sld [smem:$0x0];
	_ =	sdelay $0x2  }
0xb9: {  	s31 =	sshll.u32 s1, $0xD;
	s1 =	sshrl.u32 s1, $0x2  }
0xba: {  	s3 =	sand.u32 $0x4000, s31;
	s1 =	sadd.s32 s1, s30  }
0xbb: {  	s0 =	sor.u32 s3, s0;
	s1 =	sshll.u32 s1, $0x11  }
0xbc: {  	s0 =	sor.u32 s1, s0  }
0xbd: {  	s0 =	sadd.s32 $0x8F2B, s0  }
0xbe: {  	[sflag:s0] =	ssyncadd.remote.s32 $0x1  }
0xbf: {  	_ =	sfence.sel $0xFFFF  }
0xc0: {  	[dreg:$0x0] =	wrdreg $0xFFFFFFFF;
	(pc) =	sbr.abs _section_cstart, $3  }
0xc1: {  	[dreg:$0x1] =	wrdreg $0xFFFFFFFF  }
0xc2: {  	_ =	task.clear_ibuf [dreg:s7], $0x2FFFF;
	_ =	strace $0x9FFFFFFF  }
0xc3: {  	(tm) =	ssettm $0x7FFFFFFF  }
tec
execute0_lowered:
.L_overlay_start_1:
0x0: {  	(tag) =	ssettag $0x1  }
0x1: {  	s5 =	rddreg [dreg:$0x0]  }
0x2: {  	s12 =	rddreg [dreg:$0x1]  }
0x3: {  	s2 =	rddreg [dreg:$0x2]  }
0x4: {  	s0 =	rddreg [dreg:$0x3];
	s3 =	simm.s32 $0x0;
	s1 =	stileid.u32  }
0x5: {  	s4 =	srdreg.scid;
	s19 =	simm.s32 $0x200;
	s20 =	simm.s32 $0x180  }
0x6: {  	s21 =	simm.s32 $0x4200;
	s22 =	simm.s32 $0x1;
	s23 =	simm.s32 $0x2  }
0x7: {  	s24 =	simm.s32 $0x3;
	[smem:$0x7FF] =	sst s3;
	s6 =	smul.u32 $0x2800, s1  }
0x8: {  	s11 =	sand.u32 $0x1, s4;
	s13 =	sadd.s32 $0x1400, s5;
	s9 =	smul.u32 $0x50000, s1  }
0x9: {  	s4 =	sadd.s32 $0xB400, s5;
	s25 =	sshll.u32 s1, $0x1;
	s17 =	smul.u32 $0xA00, s1  }
0xa: {  	s30 =	sshll.u32 s1, $0x6;
	_ =	strace $0x8000004A;
	s7 =	smul.u32 $0x28000, s11  }
0xb: {  	s26 =	ssub.s32 $0x2, s11;
	s28 =	sor.u32 s11, s25;
	s18 =	smul.u32 $0x500, s11  }
0xc: {  	s25 =	simm.s32 $0x4;
	s8 =	sadd.s32 s6, s5;
	s29 =	sshrl.u32 s26, $0x1  }
0xd: {  	s9 =	sshrl.u32 s9, $0x2;
	s10 =	smul.u32 $0x500, s28;
	s31 =	sadd.s32 s17, s12  }
0xe: {  	s6 =	sadd.s32 s6, s7;
	s15 =	ssub.s32 s26, s29;
	s16 =	sadd.s32 s9, s2  }
0xf: {  	s26 =	simm.s32 $0x0;
	s14 =	sadd.s32 s6, s5;
	s5 =	sadd.s32 $0x33400, s8  }
0x10: {  	s7 =	sadd.s32 s13, s10;
	s8 =	sadd.s32 s12, s10;
	s10 =	sor.u32 $0x10, s10  }
0x11: {  	s6 =	sor.u32 $0x1C05, s30;
	s9 =	sadd.s32 s13, s10;
	s10 =	sadd.s32 s12, s10  }
0x12: {  	s11 =	sadd.s32 $0x5B400, s14;
	s13 =	sadd.s32 s17, s13;
	s12 =	smax.u32 s15, $0x1  }
0x13: {  	s14 =	sadd.s32 s18, s31;
	s15 =	sshrl.u32 s16, $0x3;
	s16 =	simm.s32 $0x5  }
0x14: {  	s17 =	simm.s32 $0x100;
	s13 =	sadd.s32 s18, s13;
	s18 =	simm.s32 $0x80  }
.LBB2_1:
0x15: {  	[spmem:s15], [sflag:s6] =	dma.local [hbm:s5], $0x2800  }
0x16: {  	_ =	swait.ge [sflag:s16], $0x2800  }
0x17: {  	[sflag:s16] =	ssyncset.done $0x0  }
0x18: {  	[sflag:s16] =	ssyncadd.s32 $0xFFFFD800  }
0x19: {  	[bflag:$0x0] =	sbarrier.arrive $0xFFFF  }
0x1a: {  	[tilespmem:s3], [sflag:$0x5] =	stream.linear.gather [hbm4b:s7+s3], $0x80, $0x38;
	[tilespmem:$0x1C200] =	vst v63  }
0x1b: {  	_ =	swait.ge [sflag:s16], $0x80  }
0x1c: {  	[sflag:s16] =	ssyncset.done $0x0  }
0x1d: {  	[sflag:s16] =	ssyncadd.s32 $0xFFFFFF80  }
0x1e: {  	[tilespmem:s17], [sflag:$0x5] =	stream.linear.gather [hbm4b:s8+s3], $0x80, $0x38;
	[tilespmem:$0x1C200] =	vst v63  }
0x1f: {  	_ =	swait.ge [sflag:s16], $0x80  }
0x20: {  	[sflag:s16] =	ssyncset.done $0x0  }
0x21: {  	[sflag:s16] =	ssyncadd.s32 $0xFFFFFF80  }
0x22: {  	[tilespmem:s19], [sflag:$0x1] =	stream.indirect.gather [hbm4b:s4+s18], $0x80, s17, s18, $0xb8;
	[tilespmem:$0x1C200] =	vst v63  }
0x23: {  	_ = 	snop  }
0x24: {  	[tilespmem:s18], [sflag:$0x5] =	stream.linear.gather [hbm4b:s9+s3], $0x80, $0x38;
	[tilespmem:$0x1C200] =	vst v63  }
0x25: {  	_ =	swait.ge [sflag:s16], $0x80  }
0x26: {  	[sflag:s16] =	ssyncset.done $0x0  }
0x27: {  	[sflag:s16] =	ssyncadd.s32 $0xFFFFFF80  }
0x28: {  	[tilespmem:s20], [sflag:$0x5] =	stream.linear.gather [hbm4b:s10+s3], $0x80, $0x38;
	[tilespmem:$0x1C200] =	vst v63  }
0x29: {  	_ =	swait.ge [sflag:s16], $0x80  }
0x2a: {  	[sflag:s16] =	ssyncset.done $0x0  }
0x2b: {  	[sflag:s16] =	ssyncadd.s32 $0xFFFFFF80  }
0x2c: {  	[tilespmem:s21], [sflag:$0x2] =	stream.indirect.gather [hbm4b:s4+s18], $0x80, s20, s18, $0xb8;
	[tilespmem:$0x1C200] =	vst v63  }
0x2d: {  	_ =	swait.ge [sflag:s22], $0x4000  }
0x2e: {  	[sflag:s22] =	ssyncset.done $0x0  }
0x2f: {  	[sflag:s22] =	ssyncadd.s32 $0xFFFFC000  }
0x30: {  	[spmem:s2] =	stream.indirect.scatter.add.f32 [tilespmem:s19], [sflag:$0x5], $0x80, s3, s18, $0xb8;
	[tilespmem:$0x1C200] =	vst v63  }
0x31: {  	_ =	swait.ge [sflag:s16], $0x4000  }
0x32: {  	s28 =	sadd.s32 $0x0, s13;
	[sflag:s16] =	ssyncset.done $0x0  }
0x33: {  	s30 =	sadd.s32 $0x0, s14;
	s29 =	sadd.s32 $0x20, s28;
	[sflag:s16] =	ssyncadd.s32 $0xFFFFC000  }
0x34: {  	[tilespmem:s3], [sflag:$0x3] =	stream.linear.gather [hbm4b:s29+s3], $0x80, $0x38;
	[tilespmem:$0x1C200] =	vst v63  }
0x35: {  	s31 =	sadd.s32 $0x20, s30  }
0x36: {  	[tilespmem:s17], [sflag:$0x3] =	stream.linear.gather [hbm4b:s31+s3], $0x80, $0x38;
	[tilespmem:$0x1C200] =	vst v63  }
0x37: {  	_ =	swait.ge [sflag:s23], $0x4000  }
0x38: {  	[sflag:s23] =	ssyncset.done $0x0  }
0x39: {  	[sflag:s23] =	ssyncadd.s32 $0xFFFFC000  }
0x3a: {  	[spmem:s2] =	stream.indirect.scatter.add.f32 [tilespmem:s21], [sflag:$0x5], $0x80, s18, s18, $0xb8;
	[tilespmem:$0x1C200] =	vst v63  }
0x3b: {  	_ =	swait.ge [sflag:s16], $0x4000  }
0x3c: {  	[sflag:s16] =	ssyncset.done $0x0  }
0x3d: {  	s28 =	sadd.s32 $0x30, s28;
	[sflag:s16] =	ssyncadd.s32 $0xFFFFC000  }
0x3e: {  	[tilespmem:s18], [sflag:$0x4] =	stream.linear.gather [hbm4b:s28+s3], $0x80, $0x38;
	[tilespmem:$0x1C200] =	vst v63  }
0x3f: {  	s28 =	sadd.s32 $0x30, s30  }
0x40: {  	[tilespmem:s20], [sflag:$0x4] =	stream.linear.gather [hbm4b:s28+s3], $0x80, $0x38;
	[tilespmem:$0x1C200] =	vst v63  }
0x41: {  	_ =	swait.ge [sflag:s24], $0x80  }
0x42: {  	[sflag:s24] =	ssyncset.done $0x0  }
0x43: {  	[sflag:s24] =	ssyncadd.s32 $0xFFFFFF80  }
0x44: {  	_ =	swait.ge [sflag:s24], $0x80  }
0x45: {  	[sflag:s24] =	ssyncset.done $0x0  }
0x46: {  	[sflag:s24] =	ssyncadd.s32 $0xFFFFFF80  }
0x47: {  	[tilespmem:s19], [sflag:$0x1] =	stream.indirect.gather [hbm4b:s4+s18], $0x80, s17, s18, $0xb8;
	[tilespmem:$0x1C200] =	vst v63  }
0x48: {  	_ =	swait.ge [sflag:s25], $0x80  }
0x49: {  	[sflag:s25] =	ssyncset.done $0x0  }
0x4a: {  	[sflag:s25] =	ssyncadd.s32 $0xFFFFFF80  }
0x4b: {  	_ =	swait.ge [sflag:s25], $0x80  }
0x4c: {  	[sflag:s25] =	ssyncset.done $0x0  }
0x4d: {  	s28 =	simm.s32 $0x20;
	[sflag:s25] =	ssyncadd.s32 $0xFFFFFF80  }
.LBB2_2:
0x4e: {  	[tilespmem:s21], [sflag:$0x2] =	stream.indirect.gather [hbm4b:s4+s18], $0x80, s20, s18, $0xb8;
	[tilespmem:$0x1C200] =	vst v63  }
0x4f: {  	s29 =	smov.u32 s28  }
0x50: {  	p0 =	sne.s32 s28, $0x4C0;
	s28 =	sadd.s32 $0x20, s28;
	_ =	swait.ge [sflag:s22], $0x4000  }
0x51: {  	[sflag:s22] =	ssyncset.done $0x0  }
0x52: {  	[sflag:s22] =	ssyncadd.s32 $0xFFFFC000  }
0x53: {  	[spmem:s2] =	stream.indirect.scatter.add.f32 [tilespmem:s19], [sflag:$0x5], $0x80, s3, s18, $0xb8;
	[tilespmem:$0x1C200] =	vst v63  }
0x54: {  	_ =	swait.ge [sflag:s16], $0x4000  }
0x55: {  	s30 =	sadd.s32 s29, s13;
	[sflag:s16] =	ssyncset.done $0x0  }
0x56: {  	s29 =	sadd.s32 s29, s14;
	s31 =	sadd.s32 $0x20, s30;
	[sflag:s16] =	ssyncadd.s32 $0xFFFFC000  }
0x57: {  	[tilespmem:s3], [sflag:$0x3] =	stream.linear.gather [hbm4b:s31+s3], $0x80, $0x38;
	[tilespmem:$0x1C200] =	vst v63  }
0x58: {  	s31 =	sadd.s32 $0x20, s29  }
0x59: {  	[tilespmem:s17], [sflag:$0x3] =	stream.linear.gather [hbm4b:s31+s3], $0x80, $0x38;
	[tilespmem:$0x1C200] =	vst v63  }
0x5a: {  	_ =	swait.ge [sflag:s23], $0x4000  }
0x5b: {  	[sflag:s23] =	ssyncset.done $0x0  }
0x5c: {  	[sflag:s23] =	ssyncadd.s32 $0xFFFFC000  }
0x5d: {  	[spmem:s2] =	stream.indirect.scatter.add.f32 [tilespmem:s21], [sflag:$0x5], $0x80, s18, s18, $0xb8;
	[tilespmem:$0x1C200] =	vst v63  }
0x5e: {  	_ =	swait.ge [sflag:s16], $0x4000  }
0x5f: {  	[sflag:s16] =	ssyncset.done $0x0  }
0x60: {  	s30 =	sadd.s32 $0x30, s30;
	[sflag:s16] =	ssyncadd.s32 $0xFFFFC000  }
0x61: {  	[tilespmem:s18], [sflag:$0x4] =	stream.linear.gather [hbm4b:s30+s3], $0x80, $0x38;
	[tilespmem:$0x1C200] =	vst v63  }
0x62: {  	s29 =	sadd.s32 $0x30, s29  }
0x63: {  	[tilespmem:s20], [sflag:$0x4] =	stream.linear.gather [hbm4b:s29+s3], $0x80, $0x38;
	[tilespmem:$0x1C200] =	vst v63  }
0x64: {  	_ =	swait.ge [sflag:s24], $0x80  }
0x65: {  	[sflag:s24] =	ssyncset.done $0x0  }
0x66: {  	[sflag:s24] =	ssyncadd.s32 $0xFFFFFF80  }
0x67: {  	_ =	swait.ge [sflag:s24], $0x80  }
0x68: {  	[sflag:s24] =	ssyncset.done $0x0  }
0x69: {  	[sflag:s24] =	ssyncadd.s32 $0xFFFFFF80  }
0x6a: {  	[tilespmem:s19], [sflag:$0x1] =	stream.indirect.gather [hbm4b:s4+s18], $0x80, s17, s18, $0xb8;
	[tilespmem:$0x1C200] =	vst v63  }
0x6b: {  	_ =	swait.ge [sflag:s25], $0x80  }
.Ltmp0:
0x6c: {  	[sflag:s25] =	ssyncset.done $0x0;
	(pc) =	sbr.rel @p0 .LBB2_2-.Ltmp0, $4  }
0x6d: {  	[sflag:s25] =	ssyncadd.s32 $0xFFFFFF80  }
0x6e: {  	_ =	swait.ge [sflag:s25], $0x80  }
0x6f: {  	[sflag:s25] =	ssyncset.done $0x0  }
0x70: {  	[sflag:s25] =	ssyncadd.s32 $0xFFFFFF80  }
0x71: {  	[tilespmem:s21], [sflag:$0x2] =	stream.indirect.gather [hbm4b:s4+s18], $0x80, s20, s18, $0xb8;
	[tilespmem:$0x1C200] =	vst v63  }
0x72: {  	_ =	swait.ge [sflag:s22], $0x4000  }
0x73: {  	[sflag:s22] =	ssyncset.done $0x0  }
0x74: {  	[sflag:s22] =	ssyncadd.s32 $0xFFFFC000  }
0x75: {  	[spmem:s2] =	stream.indirect.scatter.add.f32 [tilespmem:s19], [sflag:$0x5], $0x80, s3, s18, $0xb8;
	[tilespmem:$0x1C200] =	vst v63  }
0x76: {  	_ =	swait.ge [sflag:s16], $0x4000  }
0x77: {  	[sflag:s16] =	ssyncset.done $0x0  }
0x78: {  	[sflag:s16] =	ssyncadd.s32 $0xFFFFC000  }
0x79: {  	_ =	swait.ge [sflag:s23], $0x4000  }
0x7a: {  	[sflag:s23] =	ssyncset.done $0x0  }
0x7b: {  	[sflag:s23] =	ssyncadd.s32 $0xFFFFC000  }
0x7c: {  	[spmem:s2] =	stream.indirect.scatter.add.f32 [tilespmem:s21], [sflag:$0x5], $0x80, s18, s18, $0xb8;
	[tilespmem:$0x1C200] =	vst v63  }
0x7d: {  	_ =	swait.ge [sflag:s16], $0x4000  }
0x7e: {  	s26 =	sadd.s32 $0x1, s26;
	[sflag:s16] =	ssyncset.done $0x0  }
0x7f: {  	p0 =	sne.s32 s26, s12;
	[sflag:s16] =	ssyncadd.s32 $0xFFFFC000  }
.Ltmp1:
0x80: {  	[bflag:$0x0] =	sbarrier.arrive $0xFFFF;
	(pc) =	sbr.rel @p0 .LBB2_1-.Ltmp1, $4  }
0x81: {  	[hbm:s11], [sflag:s6] =	dma.local [spmem:s15], $0x2800  }
0x82: {  	_ =	swait.ge [sflag:s16], $0x2800  }
0x83: {  	[sflag:s16] =	ssyncset.done $0x0  }
0x84: {  	[sflag:s16] =	ssyncadd.s32 $0xFFFFD800  }
0x85: {  	_ =	sfence.sel $0x180000  }
0x86: {  	[bflag:$0x0] =	sbarrier.arrive $0xFFFF  }
0x87: {  	p0 =	sne.s32 s1, $0x0;
	_ =	strace $0x9000004A  }
0x88: {  	s0 =	sadd.s32 @!p0 $0x100000, s0;
	[bflag:$0x2] =	sbarrier.arrive $0xFFFF  }
0x89: {  	[sflag:s0] =	ssyncadd.tile.s32 @!p0 $0x1;
	_ =	shalt  }
.Lfunc_end2:
_tile_overlayer_lowered:
.L_overlay_start_2:
0x8a: {  	(tag) =	ssettag $0x2  }
0x8b: {  	s0 =	rddreg [dreg:$0x0];
	s2 =	stileid.u32  }
0x8c: {  	s1 =	rddreg [dreg:$0x1];
	p0 =	sne.s32 s2, $0x0  }
0x8d: {  	s3 =	rddreg [dreg:$0x2];
	[bflag:$0x3] =	sbarrier.arrive $0xFFFF;
	s2 =	simm.s32 @!p0 $0x1C05  }
0x8e: {  	[timem:s3], [sflag:s2] =	dma.local @!p0 [hbm:s0], s1  }
0x8f: {  	s0 =	simm.s32 @!p0 $0x5  }
0x90: {  	_ =	swait.ge @!p0 [sflag:s0], s1  }
0x91: {  	s1 =	ssub.s32 @!p0 $0x0, s1;
	[sflag:s0] =	ssyncset.done @!p0 $0x0  }
0x92: {  	[sflag:s0] =	ssyncadd.s32 @!p0 s1  }
0x93: {  	[bflag:$0x3] =	sbarrier.arrive $0xFFFF  }
0x94: {  	_ =	shalt  }

</sc_bundles>
